<compile_context>
chip_gen: v7x
topology: tpu7x:2x2x1
jax: 0.10.2.dev20260603
libtpu: 0.0.44.dev20260713+nightly
codegen_flags: <defaults>
</compile_context>

<pallas_src>
import functools

import jax
import jax.numpy as jnp
from jax import lax
from jax.experimental import pallas as pl
from jax.experimental.pallas import tpu as pltpu
from jax.experimental.pallas import tpu_sc as plsc

_B, _S, _D, _L = 4, 8192, 128, 16
_C = 64
_DEPTH = 8
_AHEAD = 4


@functools.cache
def _make_kernel():
    info = plsc.get_sparse_core_info()
    nc, ns = info.num_cores, info.num_subcores
    nw = nc * ns
    p_per_w = _S // nw
    n_items = _B * p_per_w // _C
    n_halves = p_per_w // _C
    mesh = plsc.VectorSubcoreMesh(core_axis_name="c", subcore_axis_name="s")

    @functools.partial(
        pl.kernel,
        mesh=mesh,
        out_type=jax.ShapeDtypeStruct((_B, _S, _D), jnp.float32),
        scratch_types=[
            pltpu.VMEM((_B, p_per_w), jnp.int32),
            pltpu.VMEM((p_per_w, _D), jnp.float32),
            pltpu.VMEM((_DEPTH, _C, _D), jnp.float32),
            pltpu.SemaphoreType.DMA,
            pltpu.SemaphoreType.DMA((n_halves,)),
            pltpu.SemaphoreType.DMA((_DEPTH,)),
            pltpu.SemaphoreType.DMA((_DEPTH,)),
        ],
    )
    def k(idx_hbm, wemb_hbm, pemb_hbm, out_hbm,
          idx_v, pos_v, rows_v, isem, psem, gsem, osem):
        wid = lax.axis_index("s") * nc + lax.axis_index("c")
        pbase = wid * p_per_w

        def coords(j):
            return lax.rem(j, _B), j // _B

        def pos_desc(h):
            return pltpu.make_async_copy(
                pemb_hbm.at[pl.ds(pbase + h * _C, _C)],
                pos_v.at[pl.ds(h * _C, _C)], psem.at[h])

        def gather_desc(j):
            b, h = coords(j)
            buf = lax.rem(j, _DEPTH)
            return pltpu.make_async_copy(
                wemb_hbm.at[idx_v.at[b, pl.ds(h * _C, _C)]],
                rows_v.at[buf], gsem.at[buf])

        def out_desc(j):
            b, h = coords(j)
            buf = lax.rem(j, _DEPTH)
            return pltpu.make_async_copy(
                rows_v.at[buf], out_hbm.at[b, pl.ds(pbase + h * _C, _C)],
                osem.at[buf])

        icopy = pltpu.make_async_copy(
            idx_hbm.at[:, pl.ds(pbase, p_per_w)], idx_v, isem)
        icopy.start()
        for h in range(n_halves):
            pos_desc(h).start()
        icopy.wait()

        def prime(j, c):
            gather_desc(j).start()
            return c
        lax.fori_loop(0, _DEPTH, prime, 0)

        def item(j, c):
            b, h = coords(j)
            buf = lax.rem(j, _DEPTH)

            @pl.when(lax.rem(j, _B) == 0)
            def _():
                pos_desc(h).wait()

            gather_desc(j).wait()

            @plsc.parallel_loop(0, _C, unroll=4)
            def add_body(r):
                prow = h * _C + r
                for col in range(_D // _L):
                    sl = pl.ds(col * _L, _L)
                    plsc.addupdate(rows_v.at[buf, r, sl], pos_v[prow, sl])

            out_desc(j).start()
            nxt = j + _AHEAD

            @pl.when(jnp.logical_and(nxt >= _DEPTH, nxt < n_items))
            def _():
                out_desc(nxt - _DEPTH).wait()
                gather_desc(nxt).start()

            return c
        lax.fori_loop(0, n_items, item, 0)

        def drain(j, c):
            out_desc(j).wait()
            return c
        lax.fori_loop(n_items - _DEPTH, n_items, drain, 0)

    return k


def kernel(input_ids, word_embeddings, position_embeddings):
    if input_ids.dtype != jnp.int32:
        input_ids = input_ids.astype(jnp.int32)
    return _make_kernel()(input_ids, word_embeddings, position_embeddings)

# --- scband reference (transcript-rebuilt; emitter-appended) ---
"""Pipeline reference for scband-reformer-embeddings-29051158790685 (READ-ONLY COPY).

The authoritative reference and input builder live on the scoring server;
editing this copy changes nothing except your own understanding.
"""

import jax, jax.numpy as jnp
import numpy as np

VOCAB = 100000
HIDDEN = 128
MAX_POS = 8192
B, S = 4, 8192

def setup_inputs(seed: int = 0) -> dict:
    key = jax.random.key(seed)
    k1, k2, k3 = jax.random.split(key, 3)
    input_ids = jax.random.randint(k1, (B, S), 0, VOCAB, dtype=jnp.int64 if jax.config.jax_enable_x64 else jnp.int32)
    word_embeddings = jax.random.normal(k2, (VOCAB, HIDDEN), dtype=jnp.float32) * 0.02
    position_embeddings = jax.random.normal(k3, (MAX_POS, HIDDEN), dtype=jnp.float32) * 0.02
    return {"input_ids": input_ids, "word_embeddings": word_embeddings, "position_embeddings": position_embeddings}

def reference(input_ids, word_embeddings, position_embeddings):
    # Faithful translation of ReformerEmbeddings.forward (eval mode, dropout p=0.0 -> identity)
    b, s = input_ids.shape
    position_ids = jnp.broadcast_to(jnp.arange(s, dtype=input_ids.dtype)[None, :], (b, s))
    inputs_embeds = jnp.take(word_embeddings, input_ids, axis=0)
    pos_emb = jnp.take(position_embeddings, position_ids, axis=0)
    embeddings = inputs_embeds  # dropout(p=0.0, training=False) is identity
    embeddings = embeddings + pos_emb
    return embeddings  # second dropout also identity

if __name__ == "__main__":
    import jax
    _d = setup_inputs()
    print(jax.jit(kernel)(*tuple(_d.values())))

</pallas_src>

<mosaic_0001>
#map = affine_map<(d0, d1) -> (0, 0)>
#map1 = affine_map<(d0, d1) -> (0, 0, 0)>
module attributes {stable_mosaic.version = 14 : i64} {
  func.func @k(%arg0: i32, %arg1: i32, %arg2: memref<4x8192xi32, #tpu.memory_space<hbm>>, %arg3: memref<100000x128xf32, #tpu.memory_space<hbm>>, %arg4: memref<8192x128xf32, #tpu.memory_space<hbm>>, %arg5: memref<4x8192x128xf32, #tpu.memory_space<hbm>>, %arg6: memref<4x256xi32, #tpu.memory_space<vmem>>, %arg7: memref<256x128xf32, #tpu.memory_space<vmem>>, %arg8: memref<8x64x128xf32, #tpu.memory_space<vmem>>, %arg9: memref<!tpu.dma_semaphore, #tpu.memory_space<semaphore_mem>>, %arg10: memref<4x!tpu.dma_semaphore, #tpu.memory_space<semaphore_mem>>, %arg11: memref<8x!tpu.dma_semaphore, #tpu.memory_space<semaphore_mem>>, %arg12: memref<8x!tpu.dma_semaphore, #tpu.memory_space<semaphore_mem>>) attributes {dimension_semantics = [#tpu.dimension_semantics<core_parallel>, #tpu.dimension_semantics<subcore_parallel>], iteration_bounds = array<i64: 2, 16>, scalar_prefetch = 0 : i64, scratch_operands = 7 : i64, tpu.core_type = #tpu.core_type<sc_vector_subcore>, window_params = [{transform_indices = #map}, {transform_indices = #map}, {transform_indices = #map}, {transform_indices = #map1}]} {
    %mul3A = arith.constant 2 : i32
    %mul3A_0 = arith.muli %arg1, %mul3A : i32
    %add3A = arith.addi %mul3A_0, %arg0 : i32
    %mul3A_1 = arith.constant 256 : i32
    %mul3A_2 = arith.muli %add3A, %mul3A_1 : i32
    %dma_start3A = arith.constant 0 : i32
    %dma_start3A_3 = tpu.memref_slice %arg2[%dma_start3A, %mul3A_2] : memref<4x8192xi32, #tpu.memory_space<hbm>> -> memref<4x256xi32, #tpu.memory_space<hbm>>
    %dma_start3A_4 = arith.constant 0 : i32
    %dma_start3A_5 = tpu.memref_slice %arg2[%dma_start3A_4, %mul3A_2] : memref<4x8192xi32, #tpu.memory_space<hbm>> -> memref<4x256xi32, #tpu.memory_space<hbm>>
    tpu.enqueue_dma source(%dma_start3A_5 : memref<4x256xi32, #tpu.memory_space<hbm>>) target(%arg6 : memref<4x256xi32, #tpu.memory_space<vmem>>) target_semaphore(%arg9 : memref<!tpu.dma_semaphore, #tpu.memory_space<semaphore_mem>>)
    %add3A_6 = arith.constant 0 : i32
    %add3A_7 = arith.addi %mul3A_2, %add3A_6 : i32
    %dma_start3A_8 = arith.constant 0 : i32
    %dma_start3A_9 = arith.constant 0 : i32
    %dma_start3A_10 = arith.constant 0 : i32
    %dma_start3A_11 = tpu.memref_slice %arg7[%dma_start3A_9, %dma_start3A_10] : memref<256x128xf32, #tpu.memory_space<vmem>> -> memref<64x128xf32, #tpu.memory_space<vmem>>
    %dma_start3A_12 = arith.constant 0 : i32
    %dma_start3A_13 = tpu.memref_slice %arg4[%add3A_7, %dma_start3A_12] : memref<8192x128xf32, #tpu.memory_space<hbm>> -> memref<64x128xf32, #tpu.memory_space<hbm>>
    %dma_start3A_14 = tpu.memref_slice %arg10[%dma_start3A_8] : memref<4x!tpu.dma_semaphore, #tpu.memory_space<semaphore_mem>> -> memref<1x!tpu.dma_semaphore, #tpu.memory_space<semaphore_mem>>
    %dma_start3A_15 = tpu.memref_squeeze %dma_start3A_14 : memref<1x!tpu.dma_semaphore, #tpu.memory_space<semaphore_mem>> -> memref<!tpu.dma_semaphore, #tpu.memory_space<semaphore_mem>>
    %dma_start3A_16 = arith.constant 0 : i32
    %dma_start3A_17 = arith.constant 0 : i32
    %dma_start3A_18 = tpu.memref_slice %arg7[%dma_start3A_16, %dma_start3A_17] : memref<256x128xf32, #tpu.memory_space<vmem>> -> memref<64x128xf32, #tpu.memory_space<vmem>>
    %dma_start3A_19 = arith.constant 0 : i32
    %dma_start3A_20 = tpu.memref_slice %arg4[%add3A_7, %dma_start3A_19] : memref<8192x128xf32, #tpu.memory_space<hbm>> -> memref<64x128xf32, #tpu.memory_space<hbm>>
    tpu.enqueue_dma source(%dma_start3A_20 : memref<64x128xf32, #tpu.memory_space<hbm>>) target(%dma_start3A_18 : memref<64x128xf32, #tpu.memory_space<vmem>>) target_semaphore(%dma_start3A_15 : memref<!tpu.dma_semaphore, #tpu.memory_space<semaphore_mem>>)
    %add3A_21 = arith.constant 64 : i32
    %add3A_22 = arith.addi %mul3A_2, %add3A_21 : i32
    %dma_start3A_23 = arith.constant 1 : i32
    %dma_start3A_24 = arith.constant 64 : i32
    %dma_start3A_25 = arith.constant 0 : i32
    %dma_start3A_26 = tpu.memref_slice %arg7[%dma_start3A_24, %dma_start3A_25] : memref<256x128xf32, #tpu.memory_space<vmem>> -> memref<64x128xf32, #tpu.memory_space<vmem>>
    %dma_start3A_27 = arith.constant 0 : i32
    %dma_start3A_28 = tpu.memref_slice %arg4[%add3A_22, %dma_start3A_27] : memref<8192x128xf32, #tpu.memory_space<hbm>> -> memref<64x128xf32, #tpu.memory_space<hbm>>
    %dma_start3A_29 = tpu.memref_slice %arg10[%dma_start3A_23] : memref<4x!tpu.dma_semaphore, #tpu.memory_space<semaphore_mem>> -> memref<1x!tpu.dma_semaphore, #tpu.memory_space<semaphore_mem>>
    %dma_start3A_30 = tpu.memref_squeeze %dma_start3A_29 : memref<1x!tpu.dma_semaphore, #tpu.memory_space<semaphore_mem>> -> memref<!tpu.dma_semaphore, #tpu.memory_space<semaphore_mem>>
    %dma_start3A_31 = arith.constant 64 : i32
    %dma_start3A_32 = arith.constant 0 : i32
    %dma_start3A_33 = tpu.memref_slice %arg7[%dma_start3A_31, %dma_start3A_32] : memref<256x128xf32, #tpu.memory_space<vmem>> -> memref<64x128xf32, #tpu.memory_space<vmem>>
    %dma_start3A_34 = arith.constant 0 : i32
    %dma_start3A_35 = tpu.memref_slice %arg4[%add3A_22, %dma_start3A_34] : memref<8192x128xf32, #tpu.memory_space<hbm>> -> memref<64x128xf32, #tpu.memory_space<hbm>>
    tpu.enqueue_dma source(%dma_start3A_35 : memref<64x128xf32, #tpu.memory_space<hbm>>) target(%dma_start3A_33 : memref<64x128xf32, #tpu.memory_space<vmem>>) target_semaphore(%dma_start3A_30 : memref<!tpu.dma_semaphore, #tpu.memory_space<semaphore_mem>>)
    %add3A_36 = arith.constant 128 : i32
    %add3A_37 = arith.addi %mul3A_2, %add3A_36 : i32
    %dma_start3A_38 = arith.constant 2 : i32
    %dma_start3A_39 = arith.constant 128 : i32
    %dma_start3A_40 = arith.constant 0 : i32
    %dma_start3A_41 = tpu.memref_slice %arg7[%dma_start3A_39, %dma_start3A_40] : memref<256x128xf32, #tpu.memory_space<vmem>> -> memref<64x128xf32, #tpu.memory_space<vmem>>
    %dma_start3A_42 = arith.constant 0 : i32
    %dma_start3A_43 = tpu.memref_slice %arg4[%add3A_37, %dma_start3A_42] : memref<8192x128xf32, #tpu.memory_space<hbm>> -> memref<64x128xf32, #tpu.memory_space<hbm>>
    %dma_start3A_44 = tpu.memref_slice %arg10[%dma_start3A_38] : memref<4x!tpu.dma_semaphore, #tpu.memory_space<semaphore_mem>> -> memref<1x!tpu.dma_semaphore, #tpu.memory_space<semaphore_mem>>
    %dma_start3A_45 = tpu.memref_squeeze %dma_start3A_44 : memref<1x!tpu.dma_semaphore, #tpu.memory_space<semaphore_mem>> -> memref<!tpu.dma_semaphore, #tpu.memory_space<semaphore_mem>>
    %dma_start3A_46 = arith.constant 128 : i32
    %dma_start3A_47 = arith.constant 0 : i32
    %dma_start3A_48 = tpu.memref_slice %arg7[%dma_start3A_46, %dma_start3A_47] : memref<256x128xf32, #tpu.memory_space<vmem>> -> memref<64x128xf32, #tpu.memory_space<vmem>>
    %dma_start3A_49 = arith.constant 0 : i32
    %dma_start3A_50 = tpu.memref_slice %arg4[%add3A_37, %dma_start3A_49] : memref<8192x128xf32, #tpu.memory_space<hbm>> -> memref<64x128xf32, #tpu.memory_space<hbm>>
    tpu.enqueue_dma source(%dma_start3A_50 : memref<64x128xf32, #tpu.memory_space<hbm>>) target(%dma_start3A_48 : memref<64x128xf32, #tpu.memory_space<vmem>>) target_semaphore(%dma_start3A_45 : memref<!tpu.dma_semaphore, #tpu.memory_space<semaphore_mem>>)
    %add3A_51 = arith.constant 192 : i32
    %add3A_52 = arith.addi %mul3A_2, %add3A_51 : i32
    %dma_start3A_53 = arith.constant 3 : i32
    %dma_start3A_54 = arith.constant 192 : i32
    %dma_start3A_55 = arith.constant 0 : i32
    %dma_start3A_56 = tpu.memref_slice %arg7[%dma_start3A_54, %dma_start3A_55] : memref<256x128xf32, #tpu.memory_space<vmem>> -> memref<64x128xf32, #tpu.memory_space<vmem>>
    %dma_start3A_57 = arith.constant 0 : i32
    %dma_start3A_58 = tpu.memref_slice %arg4[%add3A_52, %dma_start3A_57] : memref<8192x128xf32, #tpu.memory_space<hbm>> -> memref<64x128xf32, #tpu.memory_space<hbm>>
    %dma_start3A_59 = tpu.memref_slice %arg10[%dma_start3A_53] : memref<4x!tpu.dma_semaphore, #tpu.memory_space<semaphore_mem>> -> memref<1x!tpu.dma_semaphore, #tpu.memory_space<semaphore_mem>>
    %dma_start3A_60 = tpu.memref_squeeze %dma_start3A_59 : memref<1x!tpu.dma_semaphore, #tpu.memory_space<semaphore_mem>> -> memref<!tpu.dma_semaphore, #tpu.memory_space<semaphore_mem>>
    %dma_start3A_61 = arith.constant 192 : i32
    %dma_start3A_62 = arith.constant 0 : i32
    %dma_start3A_63 = tpu.memref_slice %arg7[%dma_start3A_61, %dma_start3A_62] : memref<256x128xf32, #tpu.memory_space<vmem>> -> memref<64x128xf32, #tpu.memory_space<vmem>>
    %dma_start3A_64 = arith.constant 0 : i32
    %dma_start3A_65 = tpu.memref_slice %arg4[%add3A_52, %dma_start3A_64] : memref<8192x128xf32, #tpu.memory_space<hbm>> -> memref<64x128xf32, #tpu.memory_space<hbm>>
    tpu.enqueue_dma source(%dma_start3A_65 : memref<64x128xf32, #tpu.memory_space<hbm>>) target(%dma_start3A_63 : memref<64x128xf32, #tpu.memory_space<vmem>>) target_semaphore(%dma_start3A_60 : memref<!tpu.dma_semaphore, #tpu.memory_space<semaphore_mem>>)
    %dma_wait3A = arith.constant 0 : i32
    %dma_wait3A_66 = tpu.memref_slice %arg2[%dma_wait3A, %mul3A_2] : memref<4x8192xi32, #tpu.memory_space<hbm>> -> memref<4x256xi32, #tpu.memory_space<hbm>>
    %dma_wait3A_67 = arith.constant 0 : i32
    %dma_wait3A_68 = tpu.memref_slice %arg2[%dma_wait3A_67, %mul3A_2] : memref<4x8192xi32, #tpu.memory_space<hbm>> -> memref<4x256xi32, #tpu.memory_space<hbm>>
    tpu.wait_dma2 semaphore(%arg9 : memref<!tpu.dma_semaphore, #tpu.memory_space<semaphore_mem>>) src(%dma_wait3A_68 : memref<4x256xi32, #tpu.memory_space<hbm>>) dst(%arg6 : memref<4x256xi32, #tpu.memory_space<vmem>>)
    %scan3A = arith.constant 0 : i32
    %scan3A_69 = arith.constant 0 : i32
    %scan3A_70 = arith.constant 8 : i32
    %scan3A_71 = arith.addi %scan3A_69, %scan3A_70 : i32
    %scan3A_72 = arith.constant 1 : i32
    scf.for %scan3A_86 = %scan3A_69 to %scan3A_71 step %scan3A_72  : i32 {
      %rem3A = arith.constant 4 : i32
      %rem3A_87 = arith.remsi %scan3A_86, %rem3A : i32
      %jit3A = arith.constant 4 : i32
      %div3A = arith.divsi %scan3A_86, %jit3A : i32
      %sign3A = arith.constant 0 : i32
      %sign3A_88 = arith.cmpi sgt, %scan3A_86, %sign3A : i32
      %sign3A_89 = arith.extui %sign3A_88 : i1 to i32
      %sign3A_90 = arith.constant 0 : i32
      %sign3A_91 = arith.cmpi slt, %scan3A_86, %sign3A_90 : i32
      %sign3A_92 = arith.extui %sign3A_91 : i1 to i32
      %sign3A_93 = arith.subi %sign3A_89, %sign3A_92 : i32
      %sign3A_94 = arith.constant 0 : i32
      %sign3A_95 = arith.cmpi sgt, %jit3A, %sign3A_94 : i32
      %sign3A_96 = arith.extui %sign3A_95 : i1 to i32
      %sign3A_97 = arith.constant 0 : i32
      %sign3A_98 = arith.cmpi slt, %jit3A, %sign3A_97 : i32
      %sign3A_99 = arith.extui %sign3A_98 : i1 to i32
      %sign3A_100 = arith.subi %sign3A_96, %sign3A_99 : i32
      %ne3A = arith.cmpi ne, %sign3A_93, %sign3A_100 : i32
      %rem3A_101 = arith.remsi %scan3A_86, %jit3A : i32
      %ne3A_102 = arith.constant 0 : i32
      %ne3A_103 = arith.cmpi ne, %rem3A_101, %ne3A_102 : i32
      %and3A = arith.andi %ne3A, %ne3A_103 : i1
      %sub3A = arith.constant 1 : i32
      %sub3A_104 = arith.subi %div3A, %sub3A : i32
      %select_n3A = arith.select %and3A, %sub3A_104, %div3A : i32
      %rem3A_105 = arith.constant 8 : i32
      %rem3A_106 = arith.remsi %scan3A_86, %rem3A_105 : i32
      %mul3A_107 = arith.constant 64 : i32
      %mul3A_108 = arith.muli %select_n3A, %mul3A_107 : i32
      %dma_start3A_109 = arith.constant 0 : i32
      %dma_start3A_110 = arith.constant 0 : i32
      %dma_start3A_111 = tpu.memref_slice %arg8[%rem3A_106, %dma_start3A_109, %dma_start3A_110] : memref<8x64x128xf32, #tpu.memory_space<vmem>> -> memref<1x64x128xf32, #tpu.memory_space<vmem>>
      %dma_start3A_112 = tpu.memref_squeeze %dma_start3A_111 : memref<1x64x128xf32, #tpu.memory_space<vmem>> -> memref<64x128xf32, #tpu.memory_space<vmem>>
      %dma_start3A_113 = tpu.memref_slice %arg6[%rem3A_87, %mul3A_108] : memref<4x256xi32, #tpu.memory_space<vmem>> -> memref<1x64xi32, #tpu.memory_space<vmem>>
      %dma_start3A_114 = tpu.memref_squeeze %dma_start3A_113 : memref<1x64xi32, #tpu.memory_space<vmem>> -> memref<64xi32, #tpu.memory_space<vmem>>
      %dma_start3A_115 = arith.constant 0 : i32
      %dma_start3A_116 = arith.constant 0 : i32
      %dma_start3A_117 = tpu.memref_slice %arg3[%dma_start3A_115, %dma_start3A_116] : memref<100000x128xf32, #tpu.memory_space<hbm>> -> memref<100000x128xf32, #tpu.memory_space<hbm>>
      %dma_start3A_118 = tpu.memref_slice %arg11[%rem3A_106] : memref<8x!tpu.dma_semaphore, #tpu.memory_space<semaphore_mem>> -> memref<1x!tpu.dma_semaphore, #tpu.memory_space<semaphore_mem>>
      %dma_start3A_119 = tpu.memref_squeeze %dma_start3A_118 : memref<1x!tpu.dma_semaphore, #tpu.memory_space<semaphore_mem>> -> memref<!tpu.dma_semaphore, #tpu.memory_space<semaphore_mem>>
      tpu.enqueue_indirect_dma source(%dma_start3A_117 : memref<100000x128xf32, #tpu.memory_space<hbm>>) target(%dma_start3A_112 : memref<64x128xf32, #tpu.memory_space<vmem>>) offsets(%dma_start3A_114 : memref<64xi32, #tpu.memory_space<vmem>>) semaphore(%dma_start3A_119 : memref<!tpu.dma_semaphore, #tpu.memory_space<semaphore_mem>>)
    }
    %scan3A_73 = arith.constant 8 : i32
    %scan3A_74 = arith.constant 0 : i32
    %scan3A_75 = arith.constant 0 : i32
    %scan3A_76 = arith.constant 16 : i32
    %scan3A_77 = arith.addi %scan3A_75, %scan3A_76 : i32
    %scan3A_78 = arith.constant 1 : i32
    scf.for %scan3A_86 = %scan3A_75 to %scan3A_77 step %scan3A_78  : i32 {
      %rem3A = arith.constant 4 : i32
      %rem3A_87 = arith.remsi %scan3A_86, %rem3A : i32
      %jit3A = arith.constant 4 : i32
      %div3A = arith.divsi %scan3A_86, %jit3A : i32
      %sign3A = arith.constant 0 : i32
      %sign3A_88 = arith.cmpi sgt, %scan3A_86, %sign3A : i32
      %sign3A_89 = arith.extui %sign3A_88 : i1 to i32
      %sign3A_90 = arith.constant 0 : i32
      %sign3A_91 = arith.cmpi slt, %scan3A_86, %sign3A_90 : i32
      %sign3A_92 = arith.extui %sign3A_91 : i1 to i32
      %sign3A_93 = arith.subi %sign3A_89, %sign3A_92 : i32
      %sign3A_94 = arith.constant 0 : i32
      %sign3A_95 = arith.cmpi sgt, %jit3A, %sign3A_94 : i32
      %sign3A_96 = arith.extui %sign3A_95 : i1 to i32
      %sign3A_97 = arith.constant 0 : i32
      %sign3A_98 = arith.cmpi slt, %jit3A, %sign3A_97 : i32
      %sign3A_99 = arith.extui %sign3A_98 : i1 to i32
      %sign3A_100 = arith.subi %sign3A_96, %sign3A_99 : i32
      %ne3A = arith.cmpi ne, %sign3A_93, %sign3A_100 : i32
      %rem3A_101 = arith.remsi %scan3A_86, %jit3A : i32
      %ne3A_102 = arith.constant 0 : i32
      %ne3A_103 = arith.cmpi ne, %rem3A_101, %ne3A_102 : i32
      %and3A = arith.andi %ne3A, %ne3A_103 : i1
      %sub3A = arith.constant 1 : i32
      %sub3A_104 = arith.subi %div3A, %sub3A : i32
      %select_n3A = arith.select %and3A, %sub3A_104, %div3A : i32
      %rem3A_105 = arith.constant 8 : i32
      %rem3A_106 = arith.remsi %scan3A_86, %rem3A_105 : i32
      %rem3A_107 = arith.constant 4 : i32
      %rem3A_108 = arith.remsi %scan3A_86, %rem3A_107 : i32
      %eq3A = arith.constant 0 : i32
      %eq3A_109 = arith.cmpi eq, %rem3A_108, %eq3A : i32
      %convert_element_type3A = arith.extui %eq3A_109 : i1 to i32
      %cond3A = arith.constant 0 : i32
      %cond3A_110 = arith.cmpi ne, %convert_element_type3A, %cond3A : i32
      scf.if %cond3A_110 {
        %mul3A_209 = arith.constant 64 : i32
        %mul3A_210 = arith.muli %select_n3A, %mul3A_209 : i32
        %add3A_211 = arith.addi %mul3A_2, %mul3A_210 : i32
        %mul3A_212 = arith.constant 64 : i32
        %mul3A_213 = arith.muli %select_n3A, %mul3A_212 : i32
        %dma_wait3A_214 = arith.constant 0 : i32
        %dma_wait3A_215 = tpu.memref_slice %arg7[%mul3A_213, %dma_wait3A_214] : memref<256x128xf32, #tpu.memory_space<vmem>> -> memref<64x128xf32, #tpu.memory_space<vmem>>
        %dma_wait3A_216 = arith.constant 0 : i32
        %dma_wait3A_217 = tpu.memref_slice %arg4[%add3A_211, %dma_wait3A_216] : memref<8192x128xf32, #tpu.memory_space<hbm>> -> memref<64x128xf32, #tpu.memory_space<hbm>>
        %dma_wait3A_218 = tpu.memref_slice %arg10[%select_n3A] : memref<4x!tpu.dma_semaphore, #tpu.memory_space<semaphore_mem>> -> memref<1x!tpu.dma_semaphore, #tpu.memory_space<semaphore_mem>>
        %dma_wait3A_219 = tpu.memref_squeeze %dma_wait3A_218 : memref<1x!tpu.dma_semaphore, #tpu.memory_space<semaphore_mem>> -> memref<!tpu.dma_semaphore, #tpu.memory_space<semaphore_mem>>
        %dma_wait3A_220 = arith.constant 0 : i32
        %dma_wait3A_221 = tpu.memref_slice %arg7[%mul3A_213, %dma_wait3A_220] : memref<256x128xf32, #tpu.memory_space<vmem>> -> memref<64x128xf32, #tpu.memory_space<vmem>>
        %dma_wait3A_222 = arith.constant 0 : i32
        %dma_wait3A_223 = tpu.memref_slice %arg4[%add3A_211, %dma_wait3A_222] : memref<8192x128xf32, #tpu.memory_space<hbm>> -> memref<64x128xf32, #tpu.memory_space<hbm>>
        tpu.wait_dma2 semaphore(%dma_wait3A_219 : memref<!tpu.dma_semaphore, #tpu.memory_space<semaphore_mem>>) src(%dma_wait3A_223 : memref<64x128xf32, #tpu.memory_space<hbm>>) dst(%dma_wait3A_221 : memref<64x128xf32, #tpu.memory_space<vmem>>)
      } else {
      }
      %rem3A_111 = arith.constant 4 : i32
      %rem3A_112 = arith.remsi %scan3A_86, %rem3A_111 : i32
      %jit3A_113 = arith.constant 4 : i32
      %div3A_114 = arith.divsi %scan3A_86, %jit3A_113 : i32
      %sign3A_115 = arith.constant 0 : i32
      %sign3A_116 = arith.cmpi sgt, %scan3A_86, %sign3A_115 : i32
      %sign3A_117 = arith.extui %sign3A_116 : i1 to i32
      %sign3A_118 = arith.constant 0 : i32
      %sign3A_119 = arith.cmpi slt, %scan3A_86, %sign3A_118 : i32
      %sign3A_120 = arith.extui %sign3A_119 : i1 to i32
      %sign3A_121 = arith.subi %sign3A_117, %sign3A_120 : i32
      %sign3A_122 = arith.constant 0 : i32
      %sign3A_123 = arith.cmpi sgt, %jit3A_113, %sign3A_122 : i32
      %sign3A_124 = arith.extui %sign3A_123 : i1 to i32
      %sign3A_125 = arith.constant 0 : i32
      %sign3A_126 = arith.cmpi slt, %jit3A_113, %sign3A_125 : i32
      %sign3A_127 = arith.extui %sign3A_126 : i1 to i32
      %sign3A_128 = arith.subi %sign3A_124, %sign3A_127 : i32
      %ne3A_129 = arith.cmpi ne, %sign3A_121, %sign3A_128 : i32
      %rem3A_130 = arith.remsi %scan3A_86, %jit3A_113 : i32
      %ne3A_131 = arith.constant 0 : i32
      %ne3A_132 = arith.cmpi ne, %rem3A_130, %ne3A_131 : i32
      %and3A_133 = arith.andi %ne3A_129, %ne3A_132 : i1
      %sub3A_134 = arith.constant 1 : i32
      %sub3A_135 = arith.subi %div3A_114, %sub3A_134 : i32
      %select_n3A_136 = arith.select %and3A_133, %sub3A_135, %div3A_114 : i32
      %rem3A_137 = arith.constant 8 : i32
      %rem3A_138 = arith.remsi %scan3A_86, %rem3A_137 : i32
      %mul3A_139 = arith.constant 64 : i32
      %mul3A_140 = arith.muli %select_n3A_136, %mul3A_139 : i32
      %dma_wait3A_141 = arith.constant 0 : i32
      %dma_wait3A_142 = arith.constant 0 : i32
      %dma_wait3A_143 = tpu.memref_slice %arg8[%rem3A_138, %dma_wait3A_141, %dma_wait3A_142] : memref<8x64x128xf32, #tpu.memory_space<vmem>> -> memref<1x64x128xf32, #tpu.memory_space<vmem>>
      %dma_wait3A_144 = tpu.memref_squeeze %dma_wait3A_143 : memref<1x64x128xf32, #tpu.memory_space<vmem>> -> memref<64x128xf32, #tpu.memory_space<vmem>>
      %dma_wait3A_145 = tpu.memref_slice %arg6[%rem3A_112, %mul3A_140] : memref<4x256xi32, #tpu.memory_space<vmem>> -> memref<1x64xi32, #tpu.memory_space<vmem>>
      %dma_wait3A_146 = tpu.memref_squeeze %dma_wait3A_145 : memref<1x64xi32, #tpu.memory_space<vmem>> -> memref<64xi32, #tpu.memory_space<vmem>>
      %dma_wait3A_147 = arith.constant 0 : i32
      %dma_wait3A_148 = arith.constant 0 : i32
      %dma_wait3A_149 = tpu.memref_slice %arg3[%dma_wait3A_147, %dma_wait3A_148] : memref<100000x128xf32, #tpu.memory_space<hbm>> -> memref<100000x128xf32, #tpu.memory_space<hbm>>
      %dma_wait3A_150 = tpu.memref_slice %arg11[%rem3A_138] : memref<8x!tpu.dma_semaphore, #tpu.memory_space<semaphore_mem>> -> memref<1x!tpu.dma_semaphore, #tpu.memory_space<semaphore_mem>>
      %dma_wait3A_151 = tpu.memref_squeeze %dma_wait3A_150 : memref<1x!tpu.dma_semaphore, #tpu.memory_space<semaphore_mem>> -> memref<!tpu.dma_semaphore, #tpu.memory_space<semaphore_mem>>
      tpu.wait_indirect_dma semaphore(%dma_wait3A_151 : memref<!tpu.dma_semaphore, #tpu.memory_space<semaphore_mem>>) src(%dma_wait3A_149 : memref<100000x128xf32, #tpu.memory_space<hbm>>) dst(%dma_wait3A_144 : memref<64x128xf32, #tpu.memory_space<vmem>>)
      %parallel_loop3A = arith.constant 0 : i32
      %parallel_loop3A_152 = arith.constant 64 : i32
      %parallel_loop3A_153 = arith.constant 1 : i32
      scf.for %parallel_loop3A_209 = %parallel_loop3A to %parallel_loop3A_152 step %parallel_loop3A_153  : i32 {
        %parallel_loop3A_210 = arith.constant 64 : i32
        %parallel_loop3A_211 = arith.muli %select_n3A, %parallel_loop3A_210 : i32
        %parallel_loop3A_212 = arith.addi %parallel_loop3A_211, %parallel_loop3A_209 : i32
        %parallel_loop3A_213 = arith.index_cast %parallel_loop3A_212 : i32 to index
        %parallel_loop3A_214 = arith.constant 0 : index
        %parallel_loop3A_215 = tpu.vector_load %arg7[%parallel_loop3A_213, %parallel_loop3A_214] {strides = array<i32>} : memref<256x128xf32, #tpu.memory_space<vmem>>, vector<1x16xf32>,
        %parallel_loop3A_216 = vector.shape_cast %parallel_loop3A_215 : vector<1x16xf32> to vector<16xf32>
        %parallel_loop3A_217 = arith.index_cast %rem3A_106 : i32 to index
        %parallel_loop3A_218 = arith.index_cast %parallel_loop3A_209 : i32 to index
        %parallel_loop3A_219 = arith.constant 0 : index
        %parallel_loop3A_220 = tpu.vector_load %arg8[%parallel_loop3A_217, %parallel_loop3A_218, %parallel_loop3A_219] {strides = array<i32>} : memref<8x64x128xf32, #tpu.memory_space<vmem>>, vector<1x1x16xf32>,
        %parallel_loop3A_221 = vector.shape_cast %parallel_loop3A_220 : vector<1x1x16xf32> to vector<16xf32>
        %parallel_loop3A_222 = vector.shape_cast %parallel_loop3A_216 : vector<16xf32> to vector<1x1x16xf32>
        tpu.vector_store %arg8[%parallel_loop3A_217, %parallel_loop3A_218, %parallel_loop3A_219], %parallel_loop3A_222 {add = true, strides = array<i32>} : memref<8x64x128xf32, #tpu.memory_space<vmem>>, vector<1x1x16xf32>,
        %parallel_loop3A_223 = arith.index_cast %parallel_loop3A_212 : i32 to index
        %parallel_loop3A_224 = arith.constant 16 : index
        %parallel_loop3A_225 = tpu.vector_load %arg7[%parallel_loop3A_223, %parallel_loop3A_224] {strides = array<i32>} : memref<256x128xf32, #tpu.memory_space<vmem>>, vector<1x16xf32>,
        %parallel_loop3A_226 = vector.shape_cast %parallel_loop3A_225 : vector<1x16xf32> to vector<16xf32>
        %parallel_loop3A_227 = arith.index_cast %rem3A_106 : i32 to index
        %parallel_loop3A_228 = arith.index_cast %parallel_loop3A_209 : i32 to index
        %parallel_loop3A_229 = arith.constant 16 : index
        %parallel_loop3A_230 = tpu.vector_load %arg8[%parallel_loop3A_227, %parallel_loop3A_228, %parallel_loop3A_229] {strides = array<i32>} : memref<8x64x128xf32, #tpu.memory_space<vmem>>, vector<1x1x16xf32>,
        %parallel_loop3A_231 = vector.shape_cast %parallel_loop3A_230 : vector<1x1x16xf32> to vector<16xf32>
        %parallel_loop3A_232 = vector.shape_cast %parallel_loop3A_226 : vector<16xf32> to vector<1x1x16xf32>
        tpu.vector_store %arg8[%parallel_loop3A_227, %parallel_loop3A_228, %parallel_loop3A_229], %parallel_loop3A_232 {add = true, strides = array<i32>} : memref<8x64x128xf32, #tpu.memory_space<vmem>>, vector<1x1x16xf32>,
        %parallel_loop3A_233 = arith.index_cast %parallel_loop3A_212 : i32 to index
        %parallel_loop3A_234 = arith.constant 32 : index
        %parallel_loop3A_235 = tpu.vector_load %arg7[%parallel_loop3A_233, %parallel_loop3A_234] {strides = array<i32>} : memref<256x128xf32, #tpu.memory_space<vmem>>, vector<1x16xf32>,
        %parallel_loop3A_236 = vector.shape_cast %parallel_loop3A_235 : vector<1x16xf32> to vector<16xf32>
        %parallel_loop3A_237 = arith.index_cast %rem3A_106 : i32 to index
        %parallel_loop3A_238 = arith.index_cast %parallel_loop3A_209 : i32 to index
        %parallel_loop3A_239 = arith.constant 32 : index
        %parallel_loop3A_240 = tpu.vector_load %arg8[%parallel_loop3A_237, %parallel_loop3A_238, %parallel_loop3A_239] {strides = array<i32>} : memref<8x64x128xf32, #tpu.memory_space<vmem>>, vector<1x1x16xf32>,
        %parallel_loop3A_241 = vector.shape_cast %parallel_loop3A_240 : vector<1x1x16xf32> to vector<16xf32>
        %parallel_loop3A_242 = vector.shape_cast %parallel_loop3A_236 : vector<16xf32> to vector<1x1x16xf32>
        tpu.vector_store %arg8[%parallel_loop3A_237, %parallel_loop3A_238, %parallel_loop3A_239], %parallel_loop3A_242 {add = true, strides = array<i32>} : memref<8x64x128xf32, #tpu.memory_space<vmem>>, vector<1x1x16xf32>,
        %parallel_loop3A_243 = arith.index_cast %parallel_loop3A_212 : i32 to index
        %parallel_loop3A_244 = arith.constant 48 : index
        %parallel_loop3A_245 = tpu.vector_load %arg7[%parallel_loop3A_243, %parallel_loop3A_244] {strides = array<i32>} : memref<256x128xf32, #tpu.memory_space<vmem>>, vector<1x16xf32>,
        %parallel_loop3A_246 = vector.shape_cast %parallel_loop3A_245 : vector<1x16xf32> to vector<16xf32>
        %parallel_loop3A_247 = arith.index_cast %rem3A_106 : i32 to index
        %parallel_loop3A_248 = arith.index_cast %parallel_loop3A_209 : i32 to index
        %parallel_loop3A_249 = arith.constant 48 : index
        %parallel_loop3A_250 = tpu.vector_load %arg8[%parallel_loop3A_247, %parallel_loop3A_248, %parallel_loop3A_249] {strides = array<i32>} : memref<8x64x128xf32, #tpu.memory_space<vmem>>, vector<1x1x16xf32>,
        %parallel_loop3A_251 = vector.shape_cast %parallel_loop3A_250 : vector<1x1x16xf32> to vector<16xf32>
        %parallel_loop3A_252 = vector.shape_cast %parallel_loop3A_246 : vector<16xf32> to vector<1x1x16xf32>
        tpu.vector_store %arg8[%parallel_loop3A_247, %parallel_loop3A_248, %parallel_loop3A_249], %parallel_loop3A_252 {add = true, strides = array<i32>} : memref<8x64x128xf32, #tpu.memory_space<vmem>>, vector<1x1x16xf32>,
        %parallel_loop3A_253 = arith.index_cast %parallel_loop3A_212 : i32 to index
        %parallel_loop3A_254 = arith.constant 64 : index
        %parallel_loop3A_255 = tpu.vector_load %arg7[%parallel_loop3A_253, %parallel_loop3A_254] {strides = array<i32>} : memref<256x128xf32, #tpu.memory_space<vmem>>, vector<1x16xf32>,
        %parallel_loop3A_256 = vector.shape_cast %parallel_loop3A_255 : vector<1x16xf32> to vector<16xf32>
        %parallel_loop3A_257 = arith.index_cast %rem3A_106 : i32 to index
        %parallel_loop3A_258 = arith.index_cast %parallel_loop3A_209 : i32 to index
        %parallel_loop3A_259 = arith.constant 64 : index
        %parallel_loop3A_260 = tpu.vector_load %arg8[%parallel_loop3A_257, %parallel_loop3A_258, %parallel_loop3A_259] {strides = array<i32>} : memref<8x64x128xf32, #tpu.memory_space<vmem>>, vector<1x1x16xf32>,
        %parallel_loop3A_261 = vector.shape_cast %parallel_loop3A_260 : vector<1x1x16xf32> to vector<16xf32>
        %parallel_loop3A_262 = vector.shape_cast %parallel_loop3A_256 : vector<16xf32> to vector<1x1x16xf32>
        tpu.vector_store %arg8[%parallel_loop3A_257, %parallel_loop3A_258, %parallel_loop3A_259], %parallel_loop3A_262 {add = true, strides = array<i32>} : memref<8x64x128xf32, #tpu.memory_space<vmem>>, vector<1x1x16xf32>,
        %parallel_loop3A_263 = arith.index_cast %parallel_loop3A_212 : i32 to index
        %parallel_loop3A_264 = arith.constant 80 : index
        %parallel_loop3A_265 = tpu.vector_load %arg7[%parallel_loop3A_263, %parallel_loop3A_264] {strides = array<i32>} : memref<256x128xf32, #tpu.memory_space<vmem>>, vector<1x16xf32>,
        %parallel_loop3A_266 = vector.shape_cast %parallel_loop3A_265 : vector<1x16xf32> to vector<16xf32>
        %parallel_loop3A_267 = arith.index_cast %rem3A_106 : i32 to index
        %parallel_loop3A_268 = arith.index_cast %parallel_loop3A_209 : i32 to index
        %parallel_loop3A_269 = arith.constant 80 : index
        %parallel_loop3A_270 = tpu.vector_load %arg8[%parallel_loop3A_267, %parallel_loop3A_268, %parallel_loop3A_269] {strides = array<i32>} : memref<8x64x128xf32, #tpu.memory_space<vmem>>, vector<1x1x16xf32>,
        %parallel_loop3A_271 = vector.shape_cast %parallel_loop3A_270 : vector<1x1x16xf32> to vector<16xf32>
        %parallel_loop3A_272 = vector.shape_cast %parallel_loop3A_266 : vector<16xf32> to vector<1x1x16xf32>
        tpu.vector_store %arg8[%parallel_loop3A_267, %parallel_loop3A_268, %parallel_loop3A_269], %parallel_loop3A_272 {add = true, strides = array<i32>} : memref<8x64x128xf32, #tpu.memory_space<vmem>>, vector<1x1x16xf32>,
        %parallel_loop3A_273 = arith.index_cast %parallel_loop3A_212 : i32 to index
        %parallel_loop3A_274 = arith.constant 96 : index
        %parallel_loop3A_275 = tpu.vector_load %arg7[%parallel_loop3A_273, %parallel_loop3A_274] {strides = array<i32>} : memref<256x128xf32, #tpu.memory_space<vmem>>, vector<1x16xf32>,
        %parallel_loop3A_276 = vector.shape_cast %parallel_loop3A_275 : vector<1x16xf32> to vector<16xf32>
        %parallel_loop3A_277 = arith.index_cast %rem3A_106 : i32 to index
        %parallel_loop3A_278 = arith.index_cast %parallel_loop3A_209 : i32 to index
        %parallel_loop3A_279 = arith.constant 96 : index
        %parallel_loop3A_280 = tpu.vector_load %arg8[%parallel_loop3A_277, %parallel_loop3A_278, %parallel_loop3A_279] {strides = array<i32>} : memref<8x64x128xf32, #tpu.memory_space<vmem>>, vector<1x1x16xf32>,
        %parallel_loop3A_281 = vector.shape_cast %parallel_loop3A_280 : vector<1x1x16xf32> to vector<16xf32>
        %parallel_loop3A_282 = vector.shape_cast %parallel_loop3A_276 : vector<16xf32> to vector<1x1x16xf32>
        tpu.vector_store %arg8[%parallel_loop3A_277, %parallel_loop3A_278, %parallel_loop3A_279], %parallel_loop3A_282 {add = true, strides = array<i32>} : memref<8x64x128xf32, #tpu.memory_space<vmem>>, vector<1x1x16xf32>,
        %parallel_loop3A_283 = arith.index_cast %parallel_loop3A_212 : i32 to index
        %parallel_loop3A_284 = arith.constant 112 : index
        %parallel_loop3A_285 = tpu.vector_load %arg7[%parallel_loop3A_283, %parallel_loop3A_284] {strides = array<i32>} : memref<256x128xf32, #tpu.memory_space<vmem>>, vector<1x16xf32>,
        %parallel_loop3A_286 = vector.shape_cast %parallel_loop3A_285 : vector<1x16xf32> to vector<16xf32>
        %parallel_loop3A_287 = arith.index_cast %rem3A_106 : i32 to index
        %parallel_loop3A_288 = arith.index_cast %parallel_loop3A_209 : i32 to index
        %parallel_loop3A_289 = arith.constant 112 : index
        %parallel_loop3A_290 = tpu.vector_load %arg8[%parallel_loop3A_287, %parallel_loop3A_288, %parallel_loop3A_289] {strides = array<i32>} : memref<8x64x128xf32, #tpu.memory_space<vmem>>, vector<1x1x16xf32>,
        %parallel_loop3A_291 = vector.shape_cast %parallel_loop3A_290 : vector<1x1x16xf32> to vector<16xf32>
        %parallel_loop3A_292 = vector.shape_cast %parallel_loop3A_286 : vector<16xf32> to vector<1x1x16xf32>
        tpu.vector_store %arg8[%parallel_loop3A_287, %parallel_loop3A_288, %parallel_loop3A_289], %parallel_loop3A_292 {add = true, strides = array<i32>} : memref<8x64x128xf32, #tpu.memory_space<vmem>>, vector<1x1x16xf32>,
      } {sc.loop_unroll_factor = 4 : i64, sc.parallel_access}
      %rem3A_154 = arith.constant 4 : i32
      %rem3A_155 = arith.remsi %scan3A_86, %rem3A_154 : i32
      %jit3A_156 = arith.constant 4 : i32
      %div3A_157 = arith.divsi %scan3A_86, %jit3A_156 : i32
      %sign3A_158 = arith.constant 0 : i32
      %sign3A_159 = arith.cmpi sgt, %scan3A_86, %sign3A_158 : i32
      %sign3A_160 = arith.extui %sign3A_159 : i1 to i32
      %sign3A_161 = arith.constant 0 : i32
      %sign3A_162 = arith.cmpi slt, %scan3A_86, %sign3A_161 : i32
      %sign3A_163 = arith.extui %sign3A_162 : i1 to i32
      %sign3A_164 = arith.subi %sign3A_160, %sign3A_163 : i32
      %sign3A_165 = arith.constant 0 : i32
      %sign3A_166 = arith.cmpi sgt, %jit3A_156, %sign3A_165 : i32
      %sign3A_167 = arith.extui %sign3A_166 : i1 to i32
      %sign3A_168 = arith.constant 0 : i32
      %sign3A_169 = arith.cmpi slt, %jit3A_156, %sign3A_168 : i32
      %sign3A_170 = arith.extui %sign3A_169 : i1 to i32
      %sign3A_171 = arith.subi %sign3A_167, %sign3A_170 : i32
      %ne3A_172 = arith.cmpi ne, %sign3A_164, %sign3A_171 : i32
      %rem3A_173 = arith.remsi %scan3A_86, %jit3A_156 : i32
      %ne3A_174 = arith.constant 0 : i32
      %ne3A_175 = arith.cmpi ne, %rem3A_173, %ne3A_174 : i32
      %and3A_176 = arith.andi %ne3A_172, %ne3A_175 : i1
      %sub3A_177 = arith.constant 1 : i32
      %sub3A_178 = arith.subi %div3A_157, %sub3A_177 : i32
      %select_n3A_179 = arith.select %and3A_176, %sub3A_178, %div3A_157 : i32
      %rem3A_180 = arith.constant 8 : i32
      %rem3A_181 = arith.remsi %scan3A_86, %rem3A_180 : i32
      %mul3A_182 = arith.constant 64 : i32
      %mul3A_183 = arith.muli %select_n3A_179, %mul3A_182 : i32
      %add3A_184 = arith.addi %mul3A_2, %mul3A_183 : i32
      %dma_start3A_185 = arith.constant 0 : i32
      %dma_start3A_186 = arith.constant 0 : i32
      %dma_start3A_187 = tpu.memref_slice %arg8[%rem3A_181, %dma_start3A_185, %dma_start3A_186] : memref<8x64x128xf32, #tpu.memory_space<vmem>> -> memref<1x64x128xf32, #tpu.memory_space<vmem>>
      %dma_start3A_188 = tpu.memref_squeeze %dma_start3A_187 : memref<1x64x128xf32, #tpu.memory_space<vmem>> -> memref<64x128xf32, #tpu.memory_space<vmem>>
      %dma_start3A_189 = arith.constant 0 : i32
      %dma_start3A_190 = tpu.memref_slice %arg5[%rem3A_155, %add3A_184, %dma_start3A_189] : memref<4x8192x128xf32, #tpu.memory_space<hbm>> -> memref<1x64x128xf32, #tpu.memory_space<hbm>>
      %dma_start3A_191 = tpu.memref_squeeze %dma_start3A_190 : memref<1x64x128xf32, #tpu.memory_space<hbm>> -> memref<64x128xf32, #tpu.memory_space<hbm>>
      %dma_start3A_192 = tpu.memref_slice %arg12[%rem3A_181] : memref<8x!tpu.dma_semaphore, #tpu.memory_space<semaphore_mem>> -> memref<1x!tpu.dma_semaphore, #tpu.memory_space<semaphore_mem>>
      %dma_start3A_193 = tpu.memref_squeeze %dma_start3A_192 : memref<1x!tpu.dma_semaphore, #tpu.memory_space<semaphore_mem>> -> memref<!tpu.dma_semaphore, #tpu.memory_space<semaphore_mem>>
      %dma_start3A_194 = arith.constant 0 : i32
      %dma_start3A_195 = tpu.memref_slice %arg5[%rem3A_155, %add3A_184, %dma_start3A_194] : memref<4x8192x128xf32, #tpu.memory_space<hbm>> -> memref<1x64x128xf32, #tpu.memory_space<hbm>>
      %dma_start3A_196 = tpu.memref_squeeze %dma_start3A_195 : memref<1x64x128xf32, #tpu.memory_space<hbm>> -> memref<64x128xf32, #tpu.memory_space<hbm>>
      %dma_start3A_197 = arith.constant 0 : i32
      %dma_start3A_198 = arith.constant 0 : i32
      %dma_start3A_199 = tpu.memref_slice %arg8[%rem3A_181, %dma_start3A_197, %dma_start3A_198] : memref<8x64x128xf32, #tpu.memory_space<vmem>> -> memref<1x64x128xf32, #tpu.memory_space<vmem>>
      %dma_start3A_200 = tpu.memref_squeeze %dma_start3A_199 : memref<1x64x128xf32, #tpu.memory_space<vmem>> -> memref<64x128xf32, #tpu.memory_space<vmem>>
      tpu.enqueue_dma source(%dma_start3A_200 : memref<64x128xf32, #tpu.memory_space<vmem>>) target(%dma_start3A_196 : memref<64x128xf32, #tpu.memory_space<hbm>>) target_semaphore(%dma_start3A_193 : memref<!tpu.dma_semaphore, #tpu.memory_space<semaphore_mem>>)
      %add3A_201 = arith.constant 4 : i32
      %add3A_202 = arith.addi %scan3A_86, %add3A_201 : i32
      %ge3A = arith.constant 8 : i32
      %ge3A_203 = arith.cmpi sge, %add3A_202, %ge3A : i32
      %lt3A = arith.constant 16 : i32
      %lt3A_204 = arith.cmpi slt, %add3A_202, %lt3A : i32
      %and3A_205 = arith.andi %ge3A_203, %lt3A_204 : i1
      %convert_element_type3A_206 = arith.extui %and3A_205 : i1 to i32
      %cond3A_207 = arith.constant 0 : i32
      %cond3A_208 = arith.cmpi ne, %convert_element_type3A_206, %cond3A_207 : i32
      scf.if %cond3A_208 {
        %sub3A_209 = arith.constant 8 : i32
        %sub3A_210 = arith.subi %add3A_202, %sub3A_209 : i32
        %rem3A_211 = arith.constant 4 : i32
        %rem3A_212 = arith.remsi %sub3A_210, %rem3A_211 : i32
        %jit3A_213 = arith.constant 4 : i32
        %div3A_214 = arith.divsi %sub3A_210, %jit3A_213 : i32
        %sign3A_215 = arith.constant 0 : i32
        %sign3A_216 = arith.cmpi sgt, %sub3A_210, %sign3A_215 : i32
        %sign3A_217 = arith.extui %sign3A_216 : i1 to i32
        %sign3A_218 = arith.constant 0 : i32
        %sign3A_219 = arith.cmpi slt, %sub3A_210, %sign3A_218 : i32
        %sign3A_220 = arith.extui %sign3A_219 : i1 to i32
        %sign3A_221 = arith.subi %sign3A_217, %sign3A_220 : i32
        %sign3A_222 = arith.constant 0 : i32
        %sign3A_223 = arith.cmpi sgt, %jit3A_213, %sign3A_222 : i32
        %sign3A_224 = arith.extui %sign3A_223 : i1 to i32
        %sign3A_225 = arith.constant 0 : i32
        %sign3A_226 = arith.cmpi slt, %jit3A_213, %sign3A_225 : i32
        %sign3A_227 = arith.extui %sign3A_226 : i1 to i32
        %sign3A_228 = arith.subi %sign3A_224, %sign3A_227 : i32
        %ne3A_229 = arith.cmpi ne, %sign3A_221, %sign3A_228 : i32
        %rem3A_230 = arith.remsi %sub3A_210, %jit3A_213 : i32
        %ne3A_231 = arith.constant 0 : i32
        %ne3A_232 = arith.cmpi ne, %rem3A_230, %ne3A_231 : i32
        %and3A_233 = arith.andi %ne3A_229, %ne3A_232 : i1
        %sub3A_234 = arith.constant 1 : i32
        %sub3A_235 = arith.subi %div3A_214, %sub3A_234 : i32
        %select_n3A_236 = arith.select %and3A_233, %sub3A_235, %div3A_214 : i32
        %rem3A_237 = arith.constant 8 : i32
        %rem3A_238 = arith.remsi %sub3A_210, %rem3A_237 : i32
        %mul3A_239 = arith.constant 64 : i32
        %mul3A_240 = arith.muli %select_n3A_236, %mul3A_239 : i32
        %add3A_241 = arith.addi %mul3A_2, %mul3A_240 : i32
        %dma_wait3A_242 = arith.constant 0 : i32
        %dma_wait3A_243 = arith.constant 0 : i32
        %dma_wait3A_244 = tpu.memref_slice %arg8[%rem3A_238, %dma_wait3A_242, %dma_wait3A_243] : memref<8x64x128xf32, #tpu.memory_space<vmem>> -> memref<1x64x128xf32, #tpu.memory_space<vmem>>
        %dma_wait3A_245 = tpu.memref_squeeze %dma_wait3A_244 : memref<1x64x128xf32, #tpu.memory_space<vmem>> -> memref<64x128xf32, #tpu.memory_space<vmem>>
        %dma_wait3A_246 = arith.constant 0 : i32
        %dma_wait3A_247 = tpu.memref_slice %arg5[%rem3A_212, %add3A_241, %dma_wait3A_246] : memref<4x8192x128xf32, #tpu.memory_space<hbm>> -> memref<1x64x128xf32, #tpu.memory_space<hbm>>
        %dma_wait3A_248 = tpu.memref_squeeze %dma_wait3A_247 : memref<1x64x128xf32, #tpu.memory_space<hbm>> -> memref<64x128xf32, #tpu.memory_space<hbm>>
        %dma_wait3A_249 = tpu.memref_slice %arg12[%rem3A_238] : memref<8x!tpu.dma_semaphore, #tpu.memory_space<semaphore_mem>> -> memref<1x!tpu.dma_semaphore, #tpu.memory_space<semaphore_mem>>
        %dma_wait3A_250 = tpu.memref_squeeze %dma_wait3A_249 : memref<1x!tpu.dma_semaphore, #tpu.memory_space<semaphore_mem>> -> memref<!tpu.dma_semaphore, #tpu.memory_space<semaphore_mem>>
        %dma_wait3A_251 = arith.constant 0 : i32
        %dma_wait3A_252 = tpu.memref_slice %arg5[%rem3A_212, %add3A_241, %dma_wait3A_251] : memref<4x8192x128xf32, #tpu.memory_space<hbm>> -> memref<1x64x128xf32, #tpu.memory_space<hbm>>
        %dma_wait3A_253 = tpu.memref_squeeze %dma_wait3A_252 : memref<1x64x128xf32, #tpu.memory_space<hbm>> -> memref<64x128xf32, #tpu.memory_space<hbm>>
        %dma_wait3A_254 = arith.constant 0 : i32
        %dma_wait3A_255 = arith.constant 0 : i32
        %dma_wait3A_256 = tpu.memref_slice %arg8[%rem3A_238, %dma_wait3A_254, %dma_wait3A_255] : memref<8x64x128xf32, #tpu.memory_space<vmem>> -> memref<1x64x128xf32, #tpu.memory_space<vmem>>
        %dma_wait3A_257 = tpu.memref_squeeze %dma_wait3A_256 : memref<1x64x128xf32, #tpu.memory_space<vmem>> -> memref<64x128xf32, #tpu.memory_space<vmem>>
        tpu.wait_dma2 semaphore(%dma_wait3A_250 : memref<!tpu.dma_semaphore, #tpu.memory_space<semaphore_mem>>) src(%dma_wait3A_257 : memref<64x128xf32, #tpu.memory_space<vmem>>) dst(%dma_wait3A_253 : memref<64x128xf32, #tpu.memory_space<hbm>>)
        %rem3A_258 = arith.constant 4 : i32
        %rem3A_259 = arith.remsi %add3A_202, %rem3A_258 : i32
        %jit3A_260 = arith.constant 4 : i32
        %div3A_261 = arith.divsi %add3A_202, %jit3A_260 : i32
        %sign3A_262 = arith.constant 0 : i32
        %sign3A_263 = arith.cmpi sgt, %add3A_202, %sign3A_262 : i32
        %sign3A_264 = arith.extui %sign3A_263 : i1 to i32
        %sign3A_265 = arith.constant 0 : i32
        %sign3A_266 = arith.cmpi slt, %add3A_202, %sign3A_265 : i32
        %sign3A_267 = arith.extui %sign3A_266 : i1 to i32
        %sign3A_268 = arith.subi %sign3A_264, %sign3A_267 : i32
        %sign3A_269 = arith.constant 0 : i32
        %sign3A_270 = arith.cmpi sgt, %jit3A_260, %sign3A_269 : i32
        %sign3A_271 = arith.extui %sign3A_270 : i1 to i32
        %sign3A_272 = arith.constant 0 : i32
        %sign3A_273 = arith.cmpi slt, %jit3A_260, %sign3A_272 : i32
        %sign3A_274 = arith.extui %sign3A_273 : i1 to i32
        %sign3A_275 = arith.subi %sign3A_271, %sign3A_274 : i32
        %ne3A_276 = arith.cmpi ne, %sign3A_268, %sign3A_275 : i32
        %rem3A_277 = arith.remsi %add3A_202, %jit3A_260 : i32
        %ne3A_278 = arith.constant 0 : i32
        %ne3A_279 = arith.cmpi ne, %rem3A_277, %ne3A_278 : i32
        %and3A_280 = arith.andi %ne3A_276, %ne3A_279 : i1
        %sub3A_281 = arith.constant 1 : i32
        %sub3A_282 = arith.subi %div3A_261, %sub3A_281 : i32
        %select_n3A_283 = arith.select %and3A_280, %sub3A_282, %div3A_261 : i32
        %rem3A_284 = arith.constant 8 : i32
        %rem3A_285 = arith.remsi %add3A_202, %rem3A_284 : i32
        %mul3A_286 = arith.constant 64 : i32
        %mul3A_287 = arith.muli %select_n3A_283, %mul3A_286 : i32
        %dma_start3A_288 = arith.constant 0 : i32
        %dma_start3A_289 = arith.constant 0 : i32
        %dma_start3A_290 = tpu.memref_slice %arg8[%rem3A_285, %dma_start3A_288, %dma_start3A_289] : memref<8x64x128xf32, #tpu.memory_space<vmem>> -> memref<1x64x128xf32, #tpu.memory_space<vmem>>
        %dma_start3A_291 = tpu.memref_squeeze %dma_start3A_290 : memref<1x64x128xf32, #tpu.memory_space<vmem>> -> memref<64x128xf32, #tpu.memory_space<vmem>>
        %dma_start3A_292 = tpu.memref_slice %arg6[%rem3A_259, %mul3A_287] : memref<4x256xi32, #tpu.memory_space<vmem>> -> memref<1x64xi32, #tpu.memory_space<vmem>>
        %dma_start3A_293 = tpu.memref_squeeze %dma_start3A_292 : memref<1x64xi32, #tpu.memory_space<vmem>> -> memref<64xi32, #tpu.memory_space<vmem>>
        %dma_start3A_294 = arith.constant 0 : i32
        %dma_start3A_295 = arith.constant 0 : i32
        %dma_start3A_296 = tpu.memref_slice %arg3[%dma_start3A_294, %dma_start3A_295] : memref<100000x128xf32, #tpu.memory_space<hbm>> -> memref<100000x128xf32, #tpu.memory_space<hbm>>
        %dma_start3A_297 = tpu.memref_slice %arg11[%rem3A_285] : memref<8x!tpu.dma_semaphore, #tpu.memory_space<semaphore_mem>> -> memref<1x!tpu.dma_semaphore, #tpu.memory_space<semaphore_mem>>
        %dma_start3A_298 = tpu.memref_squeeze %dma_start3A_297 : memref<1x!tpu.dma_semaphore, #tpu.memory_space<semaphore_mem>> -> memref<!tpu.dma_semaphore, #tpu.memory_space<semaphore_mem>>
        tpu.enqueue_indirect_dma source(%dma_start3A_296 : memref<100000x128xf32, #tpu.memory_space<hbm>>) target(%dma_start3A_291 : memref<64x128xf32, #tpu.memory_space<vmem>>) offsets(%dma_start3A_293 : memref<64xi32, #tpu.memory_space<vmem>>) semaphore(%dma_start3A_298 : memref<!tpu.dma_semaphore, #tpu.memory_space<semaphore_mem>>)
      } else {
      }
    }
    %scan3A_79 = arith.constant 16 : i32
    %scan3A_80 = arith.constant 0 : i32
    %scan3A_81 = arith.constant 8 : i32
    %scan3A_82 = arith.constant 8 : i32
    %scan3A_83 = arith.addi %scan3A_81, %scan3A_82 : i32
    %scan3A_84 = arith.constant 1 : i32
    scf.for %scan3A_86 = %scan3A_81 to %scan3A_83 step %scan3A_84  : i32 {
      %rem3A = arith.constant 4 : i32
      %rem3A_87 = arith.remsi %scan3A_86, %rem3A : i32
      %jit3A = arith.constant 4 : i32
      %div3A = arith.divsi %scan3A_86, %jit3A : i32
      %sign3A = arith.constant 0 : i32
      %sign3A_88 = arith.cmpi sgt, %scan3A_86, %sign3A : i32
      %sign3A_89 = arith.extui %sign3A_88 : i1 to i32
      %sign3A_90 = arith.constant 0 : i32
      %sign3A_91 = arith.cmpi slt, %scan3A_86, %sign3A_90 : i32
      %sign3A_92 = arith.extui %sign3A_91 : i1 to i32
      %sign3A_93 = arith.subi %sign3A_89, %sign3A_92 : i32
      %sign3A_94 = arith.constant 0 : i32
      %sign3A_95 = arith.cmpi sgt, %jit3A, %sign3A_94 : i32
      %sign3A_96 = arith.extui %sign3A_95 : i1 to i32
      %sign3A_97 = arith.constant 0 : i32
      %sign3A_98 = arith.cmpi slt, %jit3A, %sign3A_97 : i32
      %sign3A_99 = arith.extui %sign3A_98 : i1 to i32
      %sign3A_100 = arith.subi %sign3A_96, %sign3A_99 : i32
      %ne3A = arith.cmpi ne, %sign3A_93, %sign3A_100 : i32
      %rem3A_101 = arith.remsi %scan3A_86, %jit3A : i32
      %ne3A_102 = arith.constant 0 : i32
      %ne3A_103 = arith.cmpi ne, %rem3A_101, %ne3A_102 : i32
      %and3A = arith.andi %ne3A, %ne3A_103 : i1
      %sub3A = arith.constant 1 : i32
      %sub3A_104 = arith.subi %div3A, %sub3A : i32
      %select_n3A = arith.select %and3A, %sub3A_104, %div3A : i32
      %rem3A_105 = arith.constant 8 : i32
      %rem3A_106 = arith.remsi %scan3A_86, %rem3A_105 : i32
      %mul3A_107 = arith.constant 64 : i32
      %mul3A_108 = arith.muli %select_n3A, %mul3A_107 : i32
      %add3A_109 = arith.addi %mul3A_2, %mul3A_108 : i32
      %dma_wait3A_110 = arith.constant 0 : i32
      %dma_wait3A_111 = arith.constant 0 : i32
      %dma_wait3A_112 = tpu.memref_slice %arg8[%rem3A_106, %dma_wait3A_110, %dma_wait3A_111] : memref<8x64x128xf32, #tpu.memory_space<vmem>> -> memref<1x64x128xf32, #tpu.memory_space<vmem>>
      %dma_wait3A_113 = tpu.memref_squeeze %dma_wait3A_112 : memref<1x64x128xf32, #tpu.memory_space<vmem>> -> memref<64x128xf32, #tpu.memory_space<vmem>>
      %dma_wait3A_114 = arith.constant 0 : i32
      %dma_wait3A_115 = tpu.memref_slice %arg5[%rem3A_87, %add3A_109, %dma_wait3A_114] : memref<4x8192x128xf32, #tpu.memory_space<hbm>> -> memref<1x64x128xf32, #tpu.memory_space<hbm>>
      %dma_wait3A_116 = tpu.memref_squeeze %dma_wait3A_115 : memref<1x64x128xf32, #tpu.memory_space<hbm>> -> memref<64x128xf32, #tpu.memory_space<hbm>>
      %dma_wait3A_117 = tpu.memref_slice %arg12[%rem3A_106] : memref<8x!tpu.dma_semaphore, #tpu.memory_space<semaphore_mem>> -> memref<1x!tpu.dma_semaphore, #tpu.memory_space<semaphore_mem>>
      %dma_wait3A_118 = tpu.memref_squeeze %dma_wait3A_117 : memref<1x!tpu.dma_semaphore, #tpu.memory_space<semaphore_mem>> -> memref<!tpu.dma_semaphore, #tpu.memory_space<semaphore_mem>>
      %dma_wait3A_119 = arith.constant 0 : i32
      %dma_wait3A_120 = tpu.memref_slice %arg5[%rem3A_87, %add3A_109, %dma_wait3A_119] : memref<4x8192x128xf32, #tpu.memory_space<hbm>> -> memref<1x64x128xf32, #tpu.memory_space<hbm>>
      %dma_wait3A_121 = tpu.memref_squeeze %dma_wait3A_120 : memref<1x64x128xf32, #tpu.memory_space<hbm>> -> memref<64x128xf32, #tpu.memory_space<hbm>>
      %dma_wait3A_122 = arith.constant 0 : i32
      %dma_wait3A_123 = arith.constant 0 : i32
      %dma_wait3A_124 = tpu.memref_slice %arg8[%rem3A_106, %dma_wait3A_122, %dma_wait3A_123] : memref<8x64x128xf32, #tpu.memory_space<vmem>> -> memref<1x64x128xf32, #tpu.memory_space<vmem>>
      %dma_wait3A_125 = tpu.memref_squeeze %dma_wait3A_124 : memref<1x64x128xf32, #tpu.memory_space<vmem>> -> memref<64x128xf32, #tpu.memory_space<vmem>>
      tpu.wait_dma2 semaphore(%dma_wait3A_118 : memref<!tpu.dma_semaphore, #tpu.memory_space<semaphore_mem>>) src(%dma_wait3A_125 : memref<64x128xf32, #tpu.memory_space<vmem>>) dst(%dma_wait3A_121 : memref<64x128xf32, #tpu.memory_space<hbm>>)
    }
    %scan3A_85 = arith.constant 8 : i32
    return
  }
}

</mosaic_0001>

<sc_bundles>
// kernel: kernel.3.cloned.1.call-start
scs
__scs_entry_jumppad:
0x0: {  	(pc) =	sbr.rel $0x88, $3  }
0x1: {  	(tag) =	ssettag $0x0;
	lr =	simm.s32 $0x1  }
0x2: {  	[smem:$0x3F9E] =	sst lr;
	_ =	strace $0xD0000000  }
0x3: {  	_ = 	snop  }
0x4: {  	_ = 	snop  }
0x5: {  	_ = 	snop  }
0x6: {  	_ = 	snop  }
0x7: {  	_ = 	snop  }
__scs_overlays_trampoline_lowered:
0x8: {  	[smem:$0x3FAD] =	sst s0  }
0x9: {  	[smem:$0x3FAE] =	sst s1  }
0xa: {  	[smem:$0x3FAF] =	sst s2  }
0xb: {  	[smem:$0x3FB0] =	sst s3  }
0xc: {  	[smem:$0x3FB1] =	sst s4  }
0xd: {  	[smem:$0x3FB2] =	sst s5  }
0xe: {  	[smem:$0x3FB3] =	sst s6  }
0xf: {  	[smem:$0x3FB4] =	sst s7  }
0x10: {  	[smem:$0x3FB5] =	sst s8  }
0x11: {  	[smem:$0x3FB6] =	sst s9;
	s0 =	simm.s32 @!p0 $0x0  }
0x12: {  	s1 =	sld [smem:$0x3F9C];
	s0 =	simm.s32 @p0 $0x1  }
0x13: {  	[smem:$0x3FB7] =	sst s0;
	s0 =	simm.s32 @!p1 $0x0  }
0x14: {  	s2 =	sld [smem:$0x3F9B];
	s0 =	simm.s32 @p1 $0x1  }
0x15: {  	[smem:$0x3FB8] =	sst s0;
	s0 =	simm.s32 @!p2 $0x0  }
0x16: {  	s3 =	sld [smem:$0x3FDB];
	s0 =	simm.s32 @p2 $0x1  }
0x17: {  	s4 =	simm.s32 $0x1BF5;
	[smem:$0x3FBA] =	sst s0  }
0x18: {  	s0 =	sld [smem:$0x3F9D];
	_ =	swait.ge [sflag:s4], $0x0  }
0x19: {  	s7 =	sld [smem:$0x3F9E]  }
0x1a: {  	s8 =	sadd.s32 $0xFFFFE003, lr  }
0x1b: {  	s9 =	sadd.s32 $0xFFFFFEF7, lr;
	s5 =	simm.s32 $0xFFFFFFFF;
	p2 =	slt.u32 s8, $0xFFFFF086  }
0x1c: {  	p1 =	slt.u32 s9, $0xF7A;
	s5 =	simm.s32 @!p2 $0x0  }
0x1d: {  	s5 =	simm.s32 @p1 $0x1;
	p0 =	seq.s32 s7, s2  }
0x1e: {  	s7 =	smul.u32 @!p0 $0xF7A, s2;
	p2 =	seq.s32 @!p0 s5, $0x0  }
0x1f: {  	s9 =	smul.u32 $0xF7A, s1;
	s8 =	simm.s32 @!p0 $0x1BF5;
	p2 =	por !p2, p0  }
0x20: {  	[sflag:s8] =	ssyncset.s32 @!p0 $0xFFFFF086;
	s6 =	sadd.s32 @!p0 s3, s7;
	s7 =	simm.s32 @!p0 $0x108  }
0x21: {  	s3 =	sadd.s32 s3, s9;
	s6 =	sadd.s32 @!p0 $0x88, s6;
	s7 =	simm.s32 @p2 $0x1082  }
0x22: {  	[simem:s7], [sflag:s8] =	dma.local @!p0 [hbm:s6], $0xF7A  }
0x23: {  	s9 =	sor.u32 $0xD0000000, s2;
	s6 =	simm.s32 $0x108;
	_ =	swait.ge @!p0 [sflag:s8], $0x0  }
0x24: {  	s3 =	sadd.s32 $0x88, s3;
	s6 =	simm.s32 @!p1 $0x1082;
	[sflag:s4] =	ssyncset.s32 $0xFFFFF086  }
0x25: {  	[simem:s6], [sflag:s4] =	dma.local [hbm:s3], $0xF7A  }
0x26: {  	[smem:$0x3F9E] =	sst s1;
	(tag) =	ssettag s2;
	_ =	strace s9  }
0x27: {  	s1 =	sld [smem:$0x3FAE]  }
0x28: {  	s2 =	sld [smem:$0x3FAF]  }
0x29: {  	s4 =	sld [smem:$0x3FB1]  }
0x2a: {  	p0 =	seq.s32 s5, $0x0;
	s5 =	sld [smem:$0x3FB2]  }
0x2b: {  	s6 =	sld [smem:$0x3FB3]  }
0x2c: {  	s7 =	sld [smem:$0x3FB4]  }
0x2d: {  	s3 =	simm.s32 $0x108;
	s8 =	sld [smem:$0x3FB5]  }
0x2e: {  	s3 =	simm.s32 @!p0 $0x1082;
	s9 =	sld [smem:$0x3FB6]  }
0x2f: {  	lr =	sadd.s32 s0, s3;
	s0 =	sld [smem:$0x3FAD]  }
0x30: {  	s3 =	sld [smem:$0x3FB0]  }
0x31: {  	[smem:$0x3FB9] =	sst s10  }
0x32: {  	s10 =	sld [smem:$0x3FB7];
	_ =	sdelay $0x3  }
0x33: {  	p0 =	seq.s32 s10, $0x1;
	s10 =	sld [smem:$0x3FB9];
	_ =	sdelay $0x3  }
0x34: {  	[smem:$0x3FB9] =	sst s10  }
0x35: {  	s10 =	sld [smem:$0x3FB8];
	_ =	sdelay $0x3  }
0x36: {  	p1 =	seq.s32 s10, $0x1;
	s10 =	sld [smem:$0x3FB9];
	_ =	sdelay $0x3  }
0x37: {  	[smem:$0x3FB9] =	sst s10  }
0x38: {  	s10 =	sld [smem:$0x3FBA]  }
0x39: {  	_ = 	snop;
	(pc) =	sbr.ind lr, $3  }
0x3a: {  	_ = 	snop  }
0x3b: {  	_ = 	snop  }
0x3c: {  	p2 =	seq.s32 s10, $0x1;
	s10 =	sld [smem:$0x3FB9]  }
0x3d: {  	_ =	shalt  }
0x3e: {  	_ =	shalt  }
0x3f: {  	_ =	shalt  }
0x40: {  	_ =	shalt  }
0x41: {  	_ =	shalt  }
0x42: {  	_ =	shalt  }
0x43: {  	_ =	shalt  }
0x44: {  	_ =	shalt  }
0x45: {  	_ =	shalt  }
0x46: {  	_ =	shalt  }
0x47: {  	_ =	shalt  }
0x48: {  	_ =	shalt  }
0x49: {  	_ =	shalt  }
0x4a: {  	_ =	shalt  }
0x4b: {  	_ =	shalt  }
0x4c: {  	_ =	shalt  }
0x4d: {  	_ =	shalt  }
0x4e: {  	_ =	shalt  }
0x4f: {  	_ =	shalt  }
0x50: {  	_ =	shalt  }
0x51: {  	_ =	shalt  }
0x52: {  	_ =	shalt  }
0x53: {  	_ =	shalt  }
0x54: {  	_ =	shalt  }
0x55: {  	_ =	shalt  }
0x56: {  	_ =	shalt  }
0x57: {  	_ =	shalt  }
0x58: {  	_ =	shalt  }
0x59: {  	_ =	shalt  }
0x5a: {  	_ =	shalt  }
0x5b: {  	_ =	shalt  }
0x5c: {  	_ =	shalt  }
0x5d: {  	_ =	shalt  }
0x5e: {  	_ =	shalt  }
0x5f: {  	_ =	shalt  }
0x60: {  	_ =	shalt  }
0x61: {  	_ =	shalt  }
0x62: {  	_ =	shalt  }
0x63: {  	_ =	shalt  }
0x64: {  	_ =	shalt  }
0x65: {  	_ =	shalt  }
0x66: {  	_ =	shalt  }
0x67: {  	_ =	shalt  }
0x68: {  	_ =	shalt  }
0x69: {  	_ =	shalt  }
0x6a: {  	_ =	shalt  }
0x6b: {  	_ =	shalt  }
0x6c: {  	_ =	shalt  }
0x6d: {  	_ =	shalt  }
0x6e: {  	_ =	shalt  }
0x6f: {  	_ =	shalt  }
0x70: {  	_ =	shalt  }
0x71: {  	_ =	shalt  }
0x72: {  	_ =	shalt  }
0x73: {  	_ =	shalt  }
0x74: {  	_ =	shalt  }
0x75: {  	_ =	shalt  }
0x76: {  	_ =	shalt  }
0x77: {  	_ =	shalt  }
0x78: {  	_ =	shalt  }
0x79: {  	_ =	shalt  }
0x7a: {  	_ =	shalt  }
0x7b: {  	_ =	shalt  }
0x7c: {  	_ =	shalt  }
0x7d: {  	_ =	shalt  }
0x7e: {  	_ =	shalt  }
0x7f: {  	_ =	shalt  }
0x80: {  	_ =	shalt  }
0x81: {  	_ =	shalt  }
0x82: {  	_ =	shalt  }
0x83: {  	_ =	shalt  }
0x84: {  	_ =	shalt  }
0x85: {  	_ =	shalt  }
0x86: {  	_ =	shalt  }
0x87: {  	_ =	shalt  }
.Lfunc_end0:
.L_simem_size_0:
called_computation_lowered:
.L_overlay_start_0:
0x88: {  	s2 =	sld [smem:$0x3FD9]  }
0x89: {  	s3 =	sld [smem:$0x3FFE];
	_ =	sdelay $0x1  }
0x8a: {  	s1 =	srdreg.scid  }
0x8b: {  	s0 =	sand.u32 $0x1, s1  }
0x8c: {  	s18 =	sshll.u32 s0, $0xA;
	s2 =	sadd.s32 s3, s2  }
0x8d: {  	s2 =	sadd.s32 s2, s18  }
0x8e: {  	[smem:$0x3FC5] =	sst s2  }
0x8f: {  	_ = 	snop  }
0x90: {  	s2 =	sld [smem:$0x3FC9]  }
0x91: {  	s19 =	sld [smem:$0x3FC8]  }
0x92: {  	s4 =	sld [smem:$0x3FC7]  }
0x93: {  	s5 =	sld [smem:$0x3FD0];
	(tm) =	ssettm $0x1  }
0x94: {  	s6 =	sld [smem:$0x3FFB];
	_ =	sdelay $0x3  }
0x95: {  	_ =	strace s6  }
0x96: {  	s6 =	sld [smem:$0x3FFC];
	_ =	sdelay $0x3  }
0x97: {  	_ =	strace s6  }
0x98: {  	s6 =	sld [smem:$0x3FFD];
	_ =	sdelay $0x3  }
0x99: {  	_ =	strace s6  }
0x9a: {  	_ =	strace $0x8FFFFFFF  }
0x9b: {  	s20 =	sld [smem:$0x3FDB];
	_ =	sdelay $0x1  }
0x9c: {  	s7 =	simm.s32 $_scs_section_size  }
0x9d: {  	s8 =	simm.s32 $_size__tile_overlayer_lowered;
	s9 =	simm.s32 $_tile_overlayer_lowered  }
0x9e: {  	s23 =	simm.s32 $0x1BFF;
	s22 =	sshll.u32 s9, $0x1;
	s6 =	sadd.s32 s7, s20  }
0x9f: {  	s10 =	simm.s32 $0x0;
	s21 =	sshll.u32 s8, $0x1;
	s8 =	sadd.s32 s22, s6  }
0xa0: {  	[timem:s10], [sflag:s23] =	dma.local [hbm:s8], s21  }
0xa1: {  	_ =	swait.ge [sflag:s23], s21  }
0xa2: {  	s7 =	ssub.s32 $0x0, s21;
	[sflag:s23] =	ssyncset.done $0x0  }
0xa3: {  	[sflag:s23] =	ssyncadd.s32 s7;
	_ =	sdelay $0x1  }
0xa4: {  	s24 =	simm.s32 $0x1B8B  }
0xa5: {  	_ =	swait.ge [sflag:s24], $0x1  }
0xa6: {  	[sflag:s24] =	ssyncset.done $0x0  }
0xa7: {  	s25 =	simm.s32 $0x1B8E;
	[sflag:s24] =	ssyncadd.s32 $0xFFFFFFFF  }
0xa8: {  	s26 =	simm.s32 $execute0_lowered;
	[smem:$0x3FD2] =	sst s25  }
0xa9: {  	s7 =	sshll.u32 s26, $0x1;
	_ =	strace $0x80000046;
	[dreg:$0x1] =	wrdreg $0xFFFFFFFF  }
0xaa: {  	s28 =	simm.s32 $_size_execute0_lowered;
	s6 =	sadd.s32 s6, s7;
	[dreg:$0x0] =	wrdreg $0x0  }
0xab: {  	s7 =	sshll.u32 s28, $0x1;
	[dreg:$0x2] =	wrdreg s6  }
0xac: {  	[dreg:$0x3] =	wrdreg s7  }
0xad: {  	[dreg:$0x4] =	wrdreg $0xC0  }
0xae: {  	_ =	task [dreg:s10], $0x5FFFF  }
0xaf: {  	[dreg:$0x1] =	wrdreg $0xFFFFFFFF  }
0xb0: {  	[dreg:$0x0] =	wrdreg $0x60  }
0xb1: {  	[dreg:$0x2] =	wrdreg s2  }
0xb2: {  	[dreg:$0x3] =	wrdreg s19  }
0xb3: {  	[dreg:$0x4] =	wrdreg s4  }
0xb4: {  	[dreg:$0x5] =	wrdreg s5  }
0xb5: {  	[dreg:$0x6] =	wrdreg $0x9  }
0xb6: {  	_ =	task.clear_ibuf [dreg:s10], $0x7FFFF;
	_ =	strace $0x90000046  }
0xb7: {  	s29 =	simm.s32 $0x9;
	_ =	strace $0x80000048  }
0xb8: {  	_ =	swait.ge [sflag:s29], $0x1  }
0xb9: {  	[sflag:s29] =	ssyncadd.s32 $0xFFFFFFFF  }
0xba: {  	_ =	strace $0x90000048  }
0xbb: {  	_ =	sfence  }
0xbc: {  	s30 =	sld [smem:$0x0];
	_ =	sdelay $0x2  }
0xbd: {  	s31 =	sshll.u32 s1, $0xD;
	s1 =	sshrl.u32 s1, $0x2  }
0xbe: {  	s3 =	sand.u32 $0x4000, s31;
	s1 =	sadd.s32 s1, s30  }
0xbf: {  	s0 =	sor.u32 s3, s0;
	s1 =	sshll.u32 s1, $0x11  }
0xc0: {  	s0 =	sor.u32 s1, s0  }
0xc1: {  	s0 =	sadd.s32 $0x8F2B, s0  }
0xc2: {  	[sflag:s0] =	ssyncadd.remote.s32 $0x1  }
0xc3: {  	_ =	sfence.sel $0xFFFF  }
0xc4: {  	[dreg:$0x0] =	wrdreg $0xFFFFFFFF;
	(pc) =	sbr.abs _section_cstart, $3  }
0xc5: {  	[dreg:$0x1] =	wrdreg $0xFFFFFFFF  }
0xc6: {  	_ =	task.clear_ibuf [dreg:s10], $0x2FFFF;
	_ =	strace $0x9FFFFFFF  }
0xc7: {  	(tm) =	ssettm $0x7FFFFFFF  }
tec
execute0_lowered:
.L_overlay_start_1:
0x0: {  	(tag) =	ssettag $0x1  }
0x1: {  	s0 =	rddreg [dreg:$0x0]  }
0x2: {  	s1 =	rddreg [dreg:$0x1]  }
0x3: {  	s2 =	rddreg [dreg:$0x2]  }
0x4: {  	s5 =	rddreg [dreg:$0x3]  }
0x5: {  	s3 =	srdreg.scid;
	s6 =	stileid.u32;
	s15 =	simm.s32 $0x1  }
0x6: {  	s16 =	simm.s32 $0x40;
	s11 =	simm.s32 $0x10;
	s12 =	simm.s32 $0x11  }
0x7: {  	s13 =	simm.s32 $0x12;
	s14 =	simm.s32 $0x13;
	s17 =	simm.s32 $0x14  }
0x8: {  	s18 =	simm.s32 $0x15;
	s19 =	simm.s32 $0x0;
	s4 =	sand.u32 $0x1, s3  }
0x9: {  	s3 =	simm.s32 $0x0;
	s6 =	sshll.u32 s6, $0x9;
	s7 =	sshll.u32 s4, $0x8  }
0xa: {  	[smem:$0x7FF] =	sst s3;
	s30 =	ssub.s32 $0x2, s4;
	s6 =	sor.u32 s7, s6  }
0xb: {  	_ =	strace $0x80000047;
	s8 =	sshrl.u32 s30, $0x1;
	s9 =	sshll.u32 s6, $0x4  }
0xc: {  	s6 =	sshrl.u32 s6, $0x1;
	s31 =	ssub.s32 s30, s8;
	s4 =	sadd.s32 s2, s9  }
0xd: {  	s0 =	sadd.s32 s0, s6;
	s9 =	sadd.s32 s5, s9;
	s10 =	smax.u32 s31, $0x1  }
0xe: {  	s2 =	simm.s32 $0xF;
	[dreg:$0x5] =	wrdreg s0;
	s6 =	sadd.s32 $0x400, s4  }
0xf: {  	s7 =	sadd.s32 $0x800, s4;
	s8 =	sadd.s32 $0xC00, s4;
	s0 =	simm.s32 $0xE  }
.LBB2_1:
0x10: {  	s5 =	rddreg [dreg:$0x5]  }
0x11: {  	[tilespmem:s3], [sflag:$0x1] =	stream.linear.gather [hbm4b:s5+s3], $0x400, $0x38;
	[tilespmem:$0x18400] =	vst v63  }
0x12: {  	s25 =	simm.s32 $0x400  }
0x13: {  	[tilespmem:s25], [sflag:$0x2] =	stream.linear.gather [hbm4b:s4+s3], $0x2000, $0x38;
	[tilespmem:$0x18400] =	vst v63  }
0x14: {  	s26 =	simm.s32 $0x2400  }
0x15: {  	[tilespmem:s26], [sflag:$0x3] =	stream.linear.gather [hbm4b:s6+s3], $0x2000, $0x38;
	[tilespmem:$0x18400] =	vst v63  }
0x16: {  	s28 =	simm.s32 $0x4400  }
0x17: {  	[tilespmem:s28], [sflag:$0x4] =	stream.linear.gather [hbm4b:s7+s3], $0x2000, $0x38;
	[tilespmem:$0x18400] =	vst v63  }
0x18: {  	s29 =	simm.s32 $0x6400  }
0x19: {  	[tilespmem:s29], [sflag:$0x5] =	stream.linear.gather [hbm4b:s8+s3], $0x2000, $0x38;
	[tilespmem:$0x18400] =	vst v63  }
0x1a: {  	_ =	swait.ge [sflag:s15], $0x400  }
0x1b: {  	[sflag:s15] =	ssyncset.done $0x0  }
0x1c: {  	s30 =	simm.s32 $0x8400;
	[sflag:s15] =	ssyncadd.s32 $0xFFFFFC00  }
0x1d: {  	[tilespmem:s30], [sflag:$0x6] =	stream.indirect.gather [hbm4b:s1+s16], $0x80, s3, s16, $0xb8;
	[tilespmem:$0x18400] =	vst v63  }
0x1e: {  	s31 =	simm.s32 $0x80;
	s20 =	simm.s32 $0xA400  }
0x1f: {  	[tilespmem:s20], [sflag:$0x7] =	stream.indirect.gather [hbm4b:s1+s16], $0x80, s31, s16, $0xb8;
	[tilespmem:$0x18400] =	vst v63  }
0x20: {  	s21 =	simm.s32 $0xC400;
	s20 =	simm.s32 $0x100  }
0x21: {  	[tilespmem:s21], [sflag:$0x8] =	stream.indirect.gather [hbm4b:s1+s16], $0x80, s20, s16, $0xb8;
	[tilespmem:$0x18400] =	vst v63  }
0x22: {  	s22 =	simm.s32 $0x180;
	s23 =	simm.s32 $0xE400  }
0x23: {  	[tilespmem:s23], [sflag:$0x9] =	stream.indirect.gather [hbm4b:s1+s16], $0x80, s22, s16, $0xb8;
	[tilespmem:$0x18400] =	vst v63  }
0x24: {  	s24 =	simm.s32 $0x10400  }
0x25: {  	[tilespmem:s24], [sflag:$0xA] =	stream.indirect.gather [hbm4b:s1+s16], $0x80, s16, s16, $0xb8;
	[tilespmem:$0x18400] =	vst v63  }
0x26: {  	s25 =	simm.s32 $0xC0;
	s26 =	simm.s32 $0x12400  }
0x27: {  	[tilespmem:s26], [sflag:$0xB] =	stream.indirect.gather [hbm4b:s1+s16], $0x80, s25, s16, $0xb8;
	[tilespmem:$0x18400] =	vst v63  }
0x28: {  	s28 =	simm.s32 $0x140;
	s29 =	simm.s32 $0x14400;
	s30 =	simm.s32 $0x1C0  }
0x29: {  	[tilespmem:s29], [sflag:$0xC] =	stream.indirect.gather [hbm4b:s1+s16], $0x80, s28, s16, $0xb8;
	[tilespmem:$0x18400] =	vst v63  }
0x2a: {  	s31 =	simm.s32 $0x16400;
	s20 =	simm.s32 $0x0;
	s21 =	simm.s32 $0x0  }
0x2b: {  	[tilespmem:s31], [sflag:$0xD] =	stream.indirect.gather [hbm4b:s1+s16], $0x80, s30, s16, $0xb8;
	[tilespmem:$0x18400] =	vst v63  }
.LBB2_2:
0x2c: {  	s23 =	sand.u32 $0x3, s21  }
0x2d: {  	s22 =	sshrl.u32 s21, $0x2;
	s5 =	sshll.u32 s21, $0xB;
	p0 =	sne.s32 s23, $0x0  }
0x2e: {  	s5 =	sand.u32 $0x3FFFE000, s5;
	s25 =	sadd.s32 @!p0 $0x2, s22  }
0x2f: {  	s5 =	sor.u32 $0x500, s5;
	_ =	swait.ge @!p0 [sflag:s25], $0x2000  }
0x30: {  	s24 =	sand.u32 $0x7, s21;
	v0 =	vmov s5;
	[sflag:s25] =	ssyncset.done @!p0 $0x0  }
0x31: {  	[sflag:s25] =	ssyncadd.s32 @!p0 $0xFFFFE000;
	s25 =	sadd.s32 $0x6, s24  }
0x32: {  	_ =	swait.ge [sflag:s25], $0x2000  }
0x33: {  	[sflag:s25] =	ssyncset.done $0x0  }
0x34: {  	[sflag:s25] =	ssyncadd.s32 $0xFFFFE000;
	s25 =	simm.s32 $0x0  }
0x35: {  	v1 =	vld.idx.msk [tilespmem:v0+s25+$0x80 ss:$0x1], $0xffff  }
0x36: {  	s26 =	sand.u32 $0x7, s20;
	v2 =	vld.idx.msk [tilespmem:v0+s25+$0xFFFFFF00 ss:$0x1], $0xffff  }
0x37: {  	s5 =	sshll.u32 s26, $0xD;
	v3 =	vld.idx.msk [tilespmem:v0+s25+$0xFFFFFF80 ss:$0x1], $0xffff  }
0x38: {  	s28 =	sadd.s32 $0x8400, s5  }
0x39: {  	s26 =	sadd.s32 $0x0, s28;
	v4 =	vld.idx.msk [tilespmem:v0+s25+$0x0 ss:$0x1], $0xffff  }
0x3a: {  	[tilespmem:s26+$0x180] =	vst.add.f32.msk $0xffff, v1  }
0x3b: {  	[tilespmem:s26+$0x0] =	vst.add.f32.msk $0xffff, v2  }
0x3c: {  	[tilespmem:s26+$0x80] =	vst.add.f32.msk $0xffff, v3  }
0x3d: {  	v1 =	vld.idx.msk [tilespmem:v0+s25+$0x90 ss:$0x1], $0xffff  }
0x3e: {  	v2 =	vld.idx.msk [tilespmem:v0+s25+$0xFFFFFF10 ss:$0x1], $0xffff  }
0x3f: {  	v3 =	vld.idx.msk [tilespmem:v0+s25+$0xFFFFFF90 ss:$0x1], $0xffff  }
0x40: {  	[tilespmem:s26+$0x100] =	vst.add.f32.msk $0xffff, v4  }
0x41: {  	v4 =	vld.idx.msk [tilespmem:v0+s25+$0x10 ss:$0x1], $0xffff  }
0x42: {  	[tilespmem:s26+$0x190] =	vst.add.f32.msk $0xffff, v1  }
0x43: {  	[tilespmem:s26+$0x10] =	vst.add.f32.msk $0xffff, v2  }
0x44: {  	[tilespmem:s26+$0x90] =	vst.add.f32.msk $0xffff, v3  }
0x45: {  	v1 =	vld.idx.msk [tilespmem:v0+s25+$0xA0 ss:$0x1], $0xffff  }
0x46: {  	v2 =	vld.idx.msk [tilespmem:v0+s25+$0xFFFFFF20 ss:$0x1], $0xffff  }
0x47: {  	v3 =	vld.idx.msk [tilespmem:v0+s25+$0xFFFFFFA0 ss:$0x1], $0xffff  }
0x48: {  	[tilespmem:s26+$0x110] =	vst.add.f32.msk $0xffff, v4  }
0x49: {  	v4 =	vld.idx.msk [tilespmem:v0+s25+$0x20 ss:$0x1], $0xffff  }
0x4a: {  	[tilespmem:s26+$0x1A0] =	vst.add.f32.msk $0xffff, v1  }
0x4b: {  	[tilespmem:s26+$0x20] =	vst.add.f32.msk $0xffff, v2  }
0x4c: {  	[tilespmem:s26+$0xA0] =	vst.add.f32.msk $0xffff, v3  }
0x4d: {  	v1 =	vld.idx.msk [tilespmem:v0+s25+$0xB0 ss:$0x1], $0xffff  }
0x4e: {  	v2 =	vld.idx.msk [tilespmem:v0+s25+$0xFFFFFF30 ss:$0x1], $0xffff  }
0x4f: {  	v3 =	vld.idx.msk [tilespmem:v0+s25+$0xFFFFFFB0 ss:$0x1], $0xffff  }
0x50: {  	[tilespmem:s26+$0x120] =	vst.add.f32.msk $0xffff, v4  }
0x51: {  	v4 =	vld.idx.msk [tilespmem:v0+s25+$0x30 ss:$0x1], $0xffff  }
0x52: {  	[tilespmem:s26+$0x1B0] =	vst.add.f32.msk $0xffff, v1  }
0x53: {  	[tilespmem:s26+$0x30] =	vst.add.f32.msk $0xffff, v2  }
0x54: {  	[tilespmem:s26+$0xB0] =	vst.add.f32.msk $0xffff, v3  }
0x55: {  	v1 =	vld.idx.msk [tilespmem:v0+s25+$0xC0 ss:$0x1], $0xffff  }
0x56: {  	v2 =	vld.idx.msk [tilespmem:v0+s25+$0xFFFFFF40 ss:$0x1], $0xffff  }
0x57: {  	v3 =	vld.idx.msk [tilespmem:v0+s25+$0xFFFFFFC0 ss:$0x1], $0xffff  }
0x58: {  	[tilespmem:s26+$0x130] =	vst.add.f32.msk $0xffff, v4  }
0x59: {  	v4 =	vld.idx.msk [tilespmem:v0+s25+$0x40 ss:$0x1], $0xffff  }
0x5a: {  	[tilespmem:s26+$0x1C0] =	vst.add.f32.msk $0xffff, v1  }
0x5b: {  	[tilespmem:s26+$0x40] =	vst.add.f32.msk $0xffff, v2  }
0x5c: {  	[tilespmem:s26+$0xC0] =	vst.add.f32.msk $0xffff, v3  }
0x5d: {  	v1 =	vld.idx.msk [tilespmem:v0+s25+$0xD0 ss:$0x1], $0xffff  }
0x5e: {  	v2 =	vld.idx.msk [tilespmem:v0+s25+$0xFFFFFF50 ss:$0x1], $0xffff  }
0x5f: {  	[tilespmem:s26+$0x140] =	vst.add.f32.msk $0xffff, v4  }
0x60: {  	v3 =	vld.idx.msk [tilespmem:v0+s25+$0xFFFFFFD0 ss:$0x1], $0xffff  }
0x61: {  	v4 =	vld.idx.msk [tilespmem:v0+s25+$0x50 ss:$0x1], $0xffff  }
0x62: {  	[tilespmem:s26+$0x1D0] =	vst.add.f32.msk $0xffff, v1  }
0x63: {  	[tilespmem:s26+$0x50] =	vst.add.f32.msk $0xffff, v2  }
0x64: {  	v1 =	vld.idx.msk [tilespmem:v0+s25+$0xE0 ss:$0x1], $0xffff  }
0x65: {  	[tilespmem:s26+$0xD0] =	vst.add.f32.msk $0xffff, v3  }
0x66: {  	[tilespmem:s26+$0x150] =	vst.add.f32.msk $0xffff, v4  }
0x67: {  	v2 =	vld.idx.msk [tilespmem:v0+s25+$0xFFFFFF60 ss:$0x1], $0xffff  }
0x68: {  	v5 =	vld.idx.msk [tilespmem:v0+s25+$0xFFFFFFE0 ss:$0x1], $0xffff  }
0x69: {  	[tilespmem:s26+$0x1E0] =	vst.add.f32.msk $0xffff, v1  }
0x6a: {  	v1 =	vld.idx.msk [tilespmem:v0+s25+$0xF0 ss:$0x1], $0xffff  }
0x6b: {  	v3 =	vld.idx.msk [tilespmem:v0+s25+$0x60 ss:$0x1], $0xffff  }
0x6c: {  	[tilespmem:s26+$0x60] =	vst.add.f32.msk $0xffff, v2  }
0x6d: {  	[tilespmem:s26+$0xE0] =	vst.add.f32.msk $0xffff, v5  }
0x6e: {  	v2 =	vld.idx.msk [tilespmem:v0+s25+$0xFFFFFF70 ss:$0x1], $0xffff  }
0x6f: {  	s5 =	sshll.u32 s24, $0xD;
	[tilespmem:s26+$0x1F0] =	vst.add.f32.msk $0xffff, v1  }
0x70: {  	s30 =	simm.s32 $0x0;
	s31 =	simm.s32 $0x800;
	s29 =	sadd.s32 $0x8400, s5;
	v1 =	vld.idx.msk [tilespmem:v0+s25+$0xFFFFFFF0 ss:$0x1], $0xffff  }
.LBB2_3:
0x71: {  	s5 =	sshra.s32 s31, $0x2;
	s30 =	sadd.s32 $0x4, s30;
	[tilespmem:s26+$0x160] =	vst.add.f32.msk $0xffff, v3  }
0x72: {  	v3 =	vld.idx.msk [tilespmem:v0+s5+$0x80 ss:$0x1], $0xffff;
	p0 =	slt.u32 s30, $0x3C  }
0x73: {  	v4 =	vld.idx.msk [tilespmem:v0+s5+$0xFFFFFF00 ss:$0x1], $0xffff  }
0x74: {  	v5 =	vld.idx.msk [tilespmem:v0+s5+$0xFFFFFF80 ss:$0x1], $0xffff  }
0x75: {  	v6 =	vld.idx.msk [tilespmem:v0+s5+$0x0 ss:$0x1], $0xffff  }
0x76: {  	v7 =	vld.idx.msk [tilespmem:v0+s25+$0x70 ss:$0x1], $0xffff;
	s25 =	smov.u32 s5  }
0x77: {  	s5 =	sadd.s32 s25, s28;
	[tilespmem:s26+$0x70] =	vst.add.f32.msk $0xffff, v2  }
0x78: {  	[tilespmem:s5+$0x180] =	vst.add.f32.msk $0xffff, v3  }
0x79: {  	v2 =	vld.idx.msk [tilespmem:v0+s25+$0x90 ss:$0x1], $0xffff  }
0x7a: {  	[tilespmem:s5+$0x0] =	vst.add.f32.msk $0xffff, v4  }
0x7b: {  	[tilespmem:s5+$0x80] =	vst.add.f32.msk $0xffff, v5  }
0x7c: {  	[tilespmem:s5+$0x100] =	vst.add.f32.msk $0xffff, v6  }
0x7d: {  	v3 =	vld.idx.msk [tilespmem:v0+s25+$0xFFFFFF10 ss:$0x1], $0xffff  }
0x7e: {  	v4 =	vld.idx.msk [tilespmem:v0+s25+$0xFFFFFF90 ss:$0x1], $0xffff  }
0x7f: {  	[tilespmem:s5+$0x190] =	vst.add.f32.msk $0xffff, v2  }
0x80: {  	v2 =	vld.idx.msk [tilespmem:v0+s25+$0xA0 ss:$0x1], $0xffff  }
0x81: {  	v5 =	vld.idx.msk [tilespmem:v0+s25+$0x10 ss:$0x1], $0xffff  }
0x82: {  	[tilespmem:s26+$0xF0] =	vst.add.f32.msk $0xffff, v1  }
0x83: {  	[tilespmem:s5+$0x10] =	vst.add.f32.msk $0xffff, v3  }
0x84: {  	[tilespmem:s5+$0x90] =	vst.add.f32.msk $0xffff, v4  }
0x85: {  	v1 =	vld.idx.msk [tilespmem:v0+s25+$0xFFFFFF20 ss:$0x1], $0xffff  }
0x86: {  	[tilespmem:s5+$0x1A0] =	vst.add.f32.msk $0xffff, v2  }
0x87: {  	v2 =	vld.idx.msk [tilespmem:v0+s25+$0xB0 ss:$0x1], $0xffff  }
0x88: {  	[tilespmem:s5+$0x110] =	vst.add.f32.msk $0xffff, v5  }
0x89: {  	v3 =	vld.idx.msk [tilespmem:v0+s25+$0xFFFFFFA0 ss:$0x1], $0xffff  }
0x8a: {  	v4 =	vld.idx.msk [tilespmem:v0+s25+$0x20 ss:$0x1], $0xffff  }
0x8b: {  	[tilespmem:s5+$0x20] =	vst.add.f32.msk $0xffff, v1  }
0x8c: {  	v1 =	vld.idx.msk [tilespmem:v0+s25+$0xFFFFFF30 ss:$0x1], $0xffff  }
0x8d: {  	[tilespmem:s5+$0x1B0] =	vst.add.f32.msk $0xffff, v2  }
0x8e: {  	v2 =	vld.idx.msk [tilespmem:v0+s25+$0xC0 ss:$0x1], $0xffff  }
0x8f: {  	[tilespmem:s5+$0xA0] =	vst.add.f32.msk $0xffff, v3  }
0x90: {  	[tilespmem:s5+$0x120] =	vst.add.f32.msk $0xffff, v4  }
0x91: {  	v3 =	vld.idx.msk [tilespmem:v0+s25+$0xFFFFFFB0 ss:$0x1], $0xffff  }
0x92: {  	v4 =	vld.idx.msk [tilespmem:v0+s25+$0x30 ss:$0x1], $0xffff  }
0x93: {  	[tilespmem:s5+$0x30] =	vst.add.f32.msk $0xffff, v1  }
0x94: {  	[tilespmem:s5+$0x1C0] =	vst.add.f32.msk $0xffff, v2  }
0x95: {  	v1 =	vld.idx.msk [tilespmem:v0+s25+$0xD0 ss:$0x1], $0xffff  }
0x96: {  	v2 =	vld.idx.msk [tilespmem:v0+s25+$0xFFFFFF40 ss:$0x1], $0xffff  }
0x97: {  	[tilespmem:s5+$0xB0] =	vst.add.f32.msk $0xffff, v3  }
0x98: {  	[tilespmem:s5+$0x130] =	vst.add.f32.msk $0xffff, v4  }
0x99: {  	v3 =	vld.idx.msk [tilespmem:v0+s25+$0xFFFFFFC0 ss:$0x1], $0xffff  }
0x9a: {  	v4 =	vld.idx.msk [tilespmem:v0+s25+$0x40 ss:$0x1], $0xffff  }
0x9b: {  	[tilespmem:s5+$0x1D0] =	vst.add.f32.msk $0xffff, v1  }
0x9c: {  	v1 =	vld.idx.msk [tilespmem:v0+s25+$0xE0 ss:$0x1], $0xffff  }
0x9d: {  	[tilespmem:s5+$0x40] =	vst.add.f32.msk $0xffff, v2  }
0x9e: {  	v2 =	vld.idx.msk [tilespmem:v0+s25+$0xFFFFFF50 ss:$0x1], $0xffff  }
0x9f: {  	[tilespmem:s5+$0xC0] =	vst.add.f32.msk $0xffff, v3  }
0xa0: {  	[tilespmem:s5+$0x140] =	vst.add.f32.msk $0xffff, v4  }
0xa1: {  	v3 =	vld.idx.msk [tilespmem:v0+s25+$0xFFFFFFD0 ss:$0x1], $0xffff  }
0xa2: {  	[tilespmem:s5+$0x1E0] =	vst.add.f32.msk $0xffff, v1  }
0xa3: {  	v1 =	vld.idx.msk [tilespmem:v0+s25+$0xF0 ss:$0x1], $0xffff  }
0xa4: {  	v4 =	vld.idx.msk [tilespmem:v0+s25+$0x50 ss:$0x1], $0xffff  }
0xa5: {  	[tilespmem:s5+$0x50] =	vst.add.f32.msk $0xffff, v2  }
0xa6: {  	v2 =	vld.idx.msk [tilespmem:v0+s25+$0xFFFFFF60 ss:$0x1], $0xffff  }
0xa7: {  	[tilespmem:s5+$0xD0] =	vst.add.f32.msk $0xffff, v3  }
0xa8: {  	v5 =	vld.idx.msk [tilespmem:v0+s25+$0xFFFFFFE0 ss:$0x1], $0xffff  }
0xa9: {  	[tilespmem:s5+$0x1F0] =	vst.add.f32.msk $0xffff, v1  }
0xaa: {  	[tilespmem:s5+$0x150] =	vst.add.f32.msk $0xffff, v4  }
0xab: {  	v3 =	vld.idx.msk [tilespmem:v0+s25+$0x60 ss:$0x1], $0xffff  }
.Ltmp0:
0xac: {  	[tilespmem:s5+$0x60] =	vst.add.f32.msk $0xffff, v2;
	(pc) =	sbr.rel @p0 .LBB2_3-.Ltmp0, $4  }
0xad: {  	v2 =	vld.idx.msk [tilespmem:v0+s25+$0xFFFFFF70 ss:$0x1], $0xffff  }
0xae: {  	[tilespmem:s5+$0xE0] =	vst.add.f32.msk $0xffff, v5  }
0xaf: {  	v1 =	vld.idx.msk [tilespmem:v0+s25+$0xFFFFFFF0 ss:$0x1], $0xffff  }
0xb0: {  	s31 =	sadd.s32 $0x800, s31;
	[tilespmem:s26+$0x170] =	vst.add.f32.msk $0xffff, v7;
	s26 =	smov.u32 s5  }
0xb1: {  	_ =	sdelay $0x2  }
0xb2: {  	[tilespmem:s26+$0x160] =	vst.add.f32.msk $0xffff, v3  }
0xb3: {  	v0 =	vld.idx.msk [tilespmem:v0+s25+$0x70 ss:$0x1], $0xffff;
	_ =	sdelay $0x2  }
0xb4: {  	s5 =	sshll.u32 s23, $0x11;
	[tilespmem:s26+$0x70] =	vst.add.f32.msk $0xffff, v2  }
0xb5: {  	s22 =	sshll.u32 s22, $0xA;
	s5 =	sadd.s32 s5, s9;
	[tilespmem:s26+$0xF0] =	vst.add.f32.msk $0xffff, v1  }
0xb6: {  	s31 =	sadd.s32 $0xE, s24;
	s5 =	sadd.s32 s22, s5;
	[tilespmem:s26+$0x170] =	vst.add.f32.msk $0xffff, v0  }
0xb7: {  	[hbm4b:s5+s3] =	stream.linear.scatter [tilespmem:s29], [sflag:s31], $0x2000, $0x38;
	[tilespmem:$0x18400] =	vst v63  }
0xb8: {  	s5 =	sadd.s32 $0xFFFFFFFC, s21  }
0xb9: {  	p0 =	sgt.u32 s5, $0x7  }
0xba: {  	s5 =	sadd.s32 @!p0 $0xE, s5  }
0xbb: {  	s22 =	sadd.s32 @!p0 $0x4, s21;
	s24 =	sshll.u32 @!p0 s21, $0x7;
	_ =	swait.ge @!p0 [sflag:s5], $0x2000  }
0xbc: {  	s21 =	sadd.s32 $0x1, s21;
	s23 =	sshll.u32 @!p0 s22, $0x4;
	[sflag:s5] =	ssyncset.done @!p0 $0x0  }
0xbd: {  	[sflag:s5] =	ssyncadd.s32 @!p0 $0xFFFFE000;
	s5 =	sand.u32 @!p0 $0x7, s22;
	s22 =	sshll.u32 @!p0 s22, $0x6  }
0xbe: {  	s24 =	sand.u32 @!p0 $0x180, s24;
	s23 =	sand.u32 @!p0 $0x40, s23;
	s22 =	sand.u32 @!p0 $0x600, s22  }
0xbf: {  	s25 =	sshll.u32 @!p0 s5, $0xD;
	s5 =	sadd.s32 @!p0 $0x6, s5;
	s22 =	sor.u32 @!p0 s24, s22  }
0xc0: {  	s25 =	sadd.s32 @!p0 $0x8400, s25;
	s22 =	sor.u32 @!p0 s23, s22;
	s23 =	simm.s32 @!p0 $0x40  }
0xc1: {  	[tilespmem:s25], [sflag:s5] =	stream.indirect.gather @!p0 [hbm4b:s1+s23], $0x80, s22, s23, $0xb8;
	[tilespmem:$0x18400] =	vst v63  }
0xc2: {  	p0 =	sne.s32 s21, $0x10  }
.Ltmp1:
0xc3: {  	_ = 	snop;
	(pc) =	sbr.rel @p0 .LBB2_2-.Ltmp1, $2  }
0xc4: {  	_ =	sdelay $0x2  }
0xc5: {  	s20 =	sadd.s32 $0x1, s20  }
0xc6: {  	_ =	swait.ge [sflag:s0], $0x2000  }
0xc7: {  	[sflag:s0] =	ssyncset.done $0x0  }
0xc8: {  	[sflag:s0] =	ssyncadd.s32 $0xFFFFE000  }
0xc9: {  	_ =	swait.ge [sflag:s2], $0x2000  }
0xca: {  	[sflag:s2] =	ssyncset.done $0x0  }
0xcb: {  	[sflag:s2] =	ssyncadd.s32 $0xFFFFE000  }
0xcc: {  	_ =	swait.ge [sflag:s11], $0x2000  }
0xcd: {  	[sflag:s11] =	ssyncset.done $0x0  }
0xce: {  	[sflag:s11] =	ssyncadd.s32 $0xFFFFE000  }
0xcf: {  	_ =	swait.ge [sflag:s12], $0x2000  }
0xd0: {  	[sflag:s12] =	ssyncset.done $0x0  }
0xd1: {  	[sflag:s12] =	ssyncadd.s32 $0xFFFFE000  }
0xd2: {  	_ =	swait.ge [sflag:s13], $0x2000  }
0xd3: {  	[sflag:s13] =	ssyncset.done $0x0  }
0xd4: {  	[sflag:s13] =	ssyncadd.s32 $0xFFFFE000  }
0xd5: {  	_ =	swait.ge [sflag:s14], $0x2000  }
0xd6: {  	[sflag:s14] =	ssyncset.done $0x0  }
0xd7: {  	s19 =	sadd.s32 $0x1, s19;
	[sflag:s14] =	ssyncadd.s32 $0xFFFFE000  }
0xd8: {  	p0 =	sne.s32 s19, s10;
	_ =	swait.ge [sflag:s17], $0x2000  }
.Ltmp2:
0xd9: {  	[sflag:s17] =	ssyncset.done $0x0;
	(pc) =	sbr.rel @p0 .LBB2_1-.Ltmp2, $4  }
0xda: {  	[sflag:s17] =	ssyncadd.s32 $0xFFFFE000  }
0xdb: {  	_ =	swait.ge [sflag:s18], $0x2000  }
0xdc: {  	[sflag:s18] =	ssyncset.done $0x0  }
0xdd: {  	[sflag:s18] =	ssyncadd.s32 $0xFFFFE000  }
0xde: {  	_ =	sfence.sel $0x180000  }
0xdf: {  	[bflag:$0x0] =	sbarrier.arrive $0xFFFF  }
0xe0: {  	_ =	strace $0x90000047  }
0xe1: {  	s0 =	stileid.u32;
	[bflag:$0x2] =	sbarrier.arrive $0xFFFF  }
0xe2: {  	p0 =	sne.s32 s0, $0x0;
	s0 =	rddreg [dreg:$0x4]  }
0xe3: {  	s0 =	sadd.s32 @!p0 $0x100000, s0  }
0xe4: {  	[sflag:s0] =	ssyncadd.tile.s32 @!p0 $0x1;
	_ =	shalt  }
.Lfunc_end2:
_tile_overlayer_lowered:
.L_overlay_start_2:
0xe5: {  	(tag) =	ssettag $0x2  }
0xe6: {  	s0 =	rddreg [dreg:$0x0];
	s2 =	stileid.u32  }
0xe7: {  	s1 =	rddreg [dreg:$0x1];
	p0 =	sne.s32 s2, $0x0  }
0xe8: {  	s3 =	rddreg [dreg:$0x2];
	[bflag:$0x3] =	sbarrier.arrive $0xFFFF;
	s2 =	simm.s32 @!p0 $0x1C16  }
0xe9: {  	[timem:s3], [sflag:s2] =	dma.local @!p0 [hbm:s0], s1  }
0xea: {  	s0 =	simm.s32 @!p0 $0x16  }
0xeb: {  	_ =	swait.ge @!p0 [sflag:s0], s1  }
0xec: {  	s1 =	ssub.s32 @!p0 $0x0, s1;
	[sflag:s0] =	ssyncset.done @!p0 $0x0  }
0xed: {  	[sflag:s0] =	ssyncadd.s32 @!p0 s1  }
0xee: {  	[bflag:$0x3] =	sbarrier.arrive $0xFFFF  }
0xef: {  	_ =	shalt  }

</sc_bundles>
